<compile_context>
chip_gen: v7x
topology: tpu7x:2x2x1
jax: 0.10.2.dev20260603
libtpu: 0.0.44.dev20260713+nightly
codegen_flags: <defaults>
</compile_context>

<pallas_src>
import functools

import jax
import jax.numpy as jnp
from jax import lax
from jax.experimental import pallas as pl
from jax.experimental.pallas import tpu as pltpu
from jax.experimental.pallas import tpu_sc as plsc

N = 10000
E = 160000
F = 119
H = 300
HP = 304
HH = 152
V = 128
G = 10

NSUB = 16
CH = 40
EPT = E // NSUB
NCH = EPT // CH
NPAIR = NCH // 2
RPT = 640
NP = NSUB * RPT

RB = 2000
NRB = N // RB



def _sc_body(m0, m1, srcr, dstr, zeros, out0, out1, src_v, dst_v,
             rows0, rows1, acc, gsems):
    c = lax.axis_index("c")
    s = lax.axis_index("s")
    stripe = pl.multiple_of(s * RPT, RPT)
    pltpu.sync_copy(zeros, acc.at[pl.ds(stripe, RPT)])
    pltpu.sync_copy(srcr.at[s], src_v)
    pltpu.sync_copy(dstr.at[s], dst_v)
    plsc.subcore_barrier()

    for cv, m in ((0, m0), (1, m1)):
        @pl.when(c == cv)
        def _():
            pltpu.async_copy(m.at[src_v.at[0]], rows0, gsems[0])

            def pair(jj, carry):
                j0 = jj * 2
                pltpu.async_copy(m.at[src_v.at[j0 + 1]], rows1, gsems[1])
                pltpu.make_async_copy(m.at[src_v.at[j0]],
                                      rows0, gsems[0]).wait()
                pltpu.sync_copy(rows0, acc.at[dst_v.at[j0]], add=True)

                @pl.when(jj + 1 < NPAIR)
                def _():
                    pltpu.async_copy(m.at[src_v.at[j0 + 2]], rows0, gsems[0])
                pltpu.make_async_copy(m.at[src_v.at[j0 + 1]],
                                      rows1, gsems[1]).wait()
                pltpu.sync_copy(rows1, acc.at[dst_v.at[j0 + 1]], add=True)
                return carry
            lax.fori_loop(0, NPAIR, pair, 0)

    plsc.subcore_barrier()
    for cv, out in ((0, out0), (1, out1)):
        @pl.when(c == cv)
        def _():
            pltpu.sync_copy(acc.at[pl.ds(stripe, RPT)],
                            out.at[pl.ds(stripe, RPT)])


@functools.cache
def _sc_scatter():
    return pl.kernel(
        _sc_body,
        mesh=plsc.VectorSubcoreMesh(core_axis_name="c", subcore_axis_name="s"),
        compiler_params=pltpu.CompilerParams(use_tc_tiling_on_sc=False),
        out_type=[jax.ShapeDtypeStruct((NP, HH), jnp.float32),
                  jax.ShapeDtypeStruct((NP, HH), jnp.float32)],
        scratch_types=[
            pltpu.VMEM((NCH, CH), jnp.int32),
            pltpu.VMEM((NCH, CH), jnp.int32),
            pltpu.VMEM((CH, HH), jnp.float32),
            pltpu.VMEM((CH, HH), jnp.float32),
            pltpu.VMEM_SHARED((NP, HH), jnp.float32),
            [pltpu.SemaphoreType.DMA, pltpu.SemaphoreType.DMA],
        ],
    )



def _dot(a, b):
    return jnp.dot(a, b, preferred_element_type=jnp.float32)


def _tc_lift_body(nf, Wl, bl, WmA, bmA, WmB, bmB, o0, o1):
    h = _dot(nf[...], Wl[...]) + bl[...]
    o0[...] = jax.nn.relu(_dot(h, WmA[...]) + bmA[...])
    o1[...] = jax.nn.relu(_dot(h, WmB[...]) + bmB[...])


def _tc_mid_body(h0, h1, WoA, WoB, bo, WmA, bmA, WmB, bmB, o0, o1):
    hh = jax.nn.relu(_dot(h0[...], WoA[...]) + _dot(h1[...], WoB[...]) + bo[...])
    o0[...] = jax.nn.relu(_dot(hh, WmA[...]) + bmA[...])
    o1[...] = jax.nn.relu(_dot(hh, WmB[...]) + bmB[...])


def _tc_read_body(h0, h1, WoA, WoB, bo, Wr, br, gid, out):
    hh = jax.nn.relu(_dot(h0[...], WoA[...]) + _dot(h1[...], WoB[...]) + bo[...])
    nl = _dot(hh, Wr[...]) + br[...]
    ids = gid[0, 0, :]
    iot = lax.broadcasted_iota(jnp.int32, (G, RB), 0)
    onehot = (ids[None, :] == iot).astype(jnp.float32)

    @pl.when(pl.program_id(0) == 0)
    def _():
        out[...] = jnp.zeros_like(out)

    out[...] += _dot(onehot, nl)


def _full(shape):
    return pl.BlockSpec(shape, lambda i: (0,) * len(shape))


def _rows(width):
    return pl.BlockSpec((RB, width), lambda i: (i, 0))


_tc_lift = pl.pallas_call(
    _tc_lift_body,
    grid=(NRB,),
    in_specs=[_rows(F), _full((F, H)), _full((1, H)),
              _full((H, HH)), _full((1, HH)), _full((H, HH)), _full((1, HH))],
    out_specs=[_rows(HH), _rows(HH)],
    out_shape=[jax.ShapeDtypeStruct((N, HH), jnp.float32)] * 2,
)

_tc_mid = pl.pallas_call(
    _tc_mid_body,
    grid=(NRB,),
    in_specs=[_rows(HH), _rows(HH),
              _full((HH, H)), _full((HH, H)), _full((1, H)),
              _full((H, HH)), _full((1, HH)), _full((H, HH)), _full((1, HH))],
    out_specs=[_rows(HH), _rows(HH)],
    out_shape=[jax.ShapeDtypeStruct((N, HH), jnp.float32)] * 2,
)

_tc_read = pl.pallas_call(
    _tc_read_body,
    grid=(NRB,),
    in_specs=[_rows(HH), _rows(HH),
              _full((HH, H)), _full((HH, H)), _full((1, H)),
              _full((H, V)), _full((1, V)),
              pl.BlockSpec((1, 1, RB), lambda i: (i, 0, 0))],
    out_specs=pl.BlockSpec((G, V), lambda i: (0, 0)),
    out_shape=jax.ShapeDtypeStruct((G, V), jnp.float32),
)



def _split_msg(Wm, bm):
    Wp = jnp.pad(Wm, ((0, 0), (0, HP - H)))
    bp = jnp.pad(bm, (0, HP - H)).reshape(1, HP)
    return Wp[:, :HH], bp[:, :HH], Wp[:, HH:], bp[:, HH:]


def _split_out(Wo):
    Wp = jnp.pad(Wo, ((0, HP - H), (0, 0)))
    return Wp[:HH, :], Wp[HH:, :]


def kernel(node_feats, edge_index, graph_ids,
           W_lift, b_lift,
           Wm1, bm1, Wo1, bo1,
           Wm2, bm2, Wo2, bo2,
           Wm3, bm3, Wo3, bo3,
           W_read, b_read):
    src = edge_index[0].reshape(NSUB, NCH, CH)
    dst = edge_index[1].reshape(NSUB, NCH, CH)
    zeros = jnp.zeros((RPT, HH), jnp.float32)
    gid = graph_ids.reshape(NRB, 1, RB)

    m1A, c1A, m1B, c1B = _split_msg(Wm1, bm1)
    m2A, c2A, m2B, c2B = _split_msg(Wm2, bm2)
    m3A, c3A, m3B, c3B = _split_msg(Wm3, bm3)
    o1A, o1B = _split_out(Wo1)
    o2A, o2B = _split_out(Wo2)
    o3A, o3B = _split_out(Wo3)

    p0, p1 = _tc_lift(node_feats, W_lift, b_lift.reshape(1, H),
                      m1A, c1A, m1B, c1B)
    a0, a1 = _sc_scatter()(p0, p1, src, dst, zeros)
    p0, p1 = _tc_mid(a0, a1, o1A, o1B, bo1.reshape(1, H),
                     m2A, c2A, m2B, c2B)
    a0, a1 = _sc_scatter()(p0, p1, src, dst, zeros)
    p0, p1 = _tc_mid(a0, a1, o2A, o2B, bo2.reshape(1, H),
                     m3A, c3A, m3B, c3B)
    a0, a1 = _sc_scatter()(p0, p1, src, dst, zeros)
    logits = _tc_read(a0, a1, o3A, o3B, bo3.reshape(1, H),
                      W_read, b_read.reshape(1, V), gid)
    return logits

# --- scband reference (transcript-rebuilt; emitter-appended) ---
"""Pipeline reference for scband-model-68624987455803 (READ-ONLY COPY).

The authoritative reference and input builder live on the scoring server;
editing this copy changes nothing except your own understanding.
"""

import jax, jax.numpy as jnp
import numpy as np

N = 10000      # nodes in batched graph
E = 160000     # edges
F = 119        # raw atom features (module constant)
H = 300        # hidden_size (module constant)
V = 128        # vocab_size (num_classes)
G = 10         # batch_size = num graphs (module constant)


def _dense_params(key, fan_in, fan_out):
    kw, kb = jax.random.split(key)
    scale = 1.0 / np.sqrt(fan_in)
    W = jax.random.uniform(kw, (fan_in, fan_out), jnp.float32, -scale, scale)
    b = jax.random.uniform(kb, (fan_out,), jnp.float32, -scale, scale)
    return W, b


def setup_inputs(seed: int = 0) -> dict:
    key = jax.random.key(seed)
    ks = jax.random.split(key, 12)
    node_feats = jax.random.normal(ks[0], (N, F), jnp.float32)
    edge_index = jax.random.randint(ks[1], (2, E), 0, N, dtype=jnp.int32)
    graph_ids = jnp.sort(jax.random.randint(ks[2], (N,), 0, G, dtype=jnp.int32))
    W_lift, b_lift = _dense_params(ks[3], F, H)
    Wm1, bm1 = _dense_params(ks[4], H, H)
    Wo1, bo1 = _dense_params(ks[5], H, H)
    Wm2, bm2 = _dense_params(ks[6], H, H)
    Wo2, bo2 = _dense_params(ks[7], H, H)
    Wm3, bm3 = _dense_params(ks[8], H, H)
    Wo3, bo3 = _dense_params(ks[9], H, H)
    W_read, b_read = _dense_params(ks[10], H, V)
    return {
        "node_feats": node_feats, "edge_index": edge_index, "graph_ids": graph_ids,
        "W_lift": W_lift, "b_lift": b_lift,
        "Wm1": Wm1, "bm1": bm1, "Wo1": Wo1, "bo1": bo1,
        "Wm2": Wm2, "bm2": bm2, "Wo2": Wo2, "bo2": bo2,
        "Wm3": Wm3, "bm3": bm3, "Wo3": Wo3, "bo3": bo3,
        "W_read": W_read, "b_read": b_read,
    }


def _mp_layer(h, src, dst, Wm, bm, Wo, bo):
    # message: relu(Dense(src feats)) per edge  (DGL send)
    msg = jax.nn.relu(h[src] @ Wm + bm)
    # reduce: sum of mailbox messages per dst node (DGL recv)
    agg = jax.ops.segment_sum(msg, dst, num_segments=N)
    # output layer applied to all node feats
    return jax.nn.relu(agg @ Wo + bo)


def reference(node_feats, edge_index, graph_ids,
              W_lift, b_lift,
              Wm1, bm1, Wo1, bo1,
              Wm2, bm2, Wo2, bo2,
              Wm3, bm3, Wo3, bo3,
              W_read, b_read):
    src = edge_index[0]
    dst = edge_index[1]
    # lift layer (no activation)
    h = node_feats @ W_lift + b_lift
    # three rounds of message passing
    h = _mp_layer(h, src, dst, Wm1, bm1, Wo1, bo1)
    h = _mp_layer(h, src, dst, Wm2, bm2, Wo2, bo2)
    h = _mp_layer(h, src, dst, Wm3, bm3, Wo3, bo3)
    # readout: Dense to num_classes then dgl.sum_nodes per graph
    node_logits = h @ W_read + b_read
    logits = jax.ops.segment_sum(node_logits, graph_ids, num_segments=G)
    return logits

if __name__ == "__main__":
    import jax
    _d = setup_inputs()
    print(jax.jit(kernel)(*tuple(_d.values())))

</pallas_src>

<mosaic_0001>
#map = affine_map<(d0, d1) -> (0, 0)>
#map1 = affine_map<(d0, d1) -> (0, 0, 0)>
module attributes {stable_mosaic.version = 14 : i64} {
  func.func @_sc_body(%arg0: i32, %arg1: i32, %arg2: memref<10000x152xf32, #tpu.memory_space<hbm>>, %arg3: memref<10000x152xf32, #tpu.memory_space<hbm>>, %arg4: memref<16x250x40xi32, #tpu.memory_space<hbm>>, %arg5: memref<16x250x40xi32, #tpu.memory_space<hbm>>, %arg6: memref<640x152xf32, #tpu.memory_space<hbm>>, %arg7: memref<10240x152xf32, #tpu.memory_space<hbm>>, %arg8: memref<10240x152xf32, #tpu.memory_space<hbm>>, %arg9: memref<250x40xi32, #tpu.memory_space<vmem>>, %arg10: memref<250x40xi32, #tpu.memory_space<vmem>>, %arg11: memref<40x152xf32, #tpu.memory_space<vmem>>, %arg12: memref<40x152xf32, #tpu.memory_space<vmem>>, %arg13: memref<10240x152xf32, #tpu.memory_space<vmem_shared>>, %arg14: memref<!tpu.dma_semaphore, #tpu.memory_space<semaphore_mem>>, %arg15: memref<!tpu.dma_semaphore, #tpu.memory_space<semaphore_mem>>) attributes {dimension_semantics = [#tpu.dimension_semantics<core_parallel>, #tpu.dimension_semantics<subcore_parallel>], iteration_bounds = array<i64: 2, 16>, scalar_prefetch = 0 : i64, scratch_operands = 7 : i64, tpu.core_type = #tpu.core_type<sc_vector_subcore>, window_params = [{transform_indices = #map}, {transform_indices = #map}, {transform_indices = #map1}, {transform_indices = #map1}, {transform_indices = #map}, {transform_indices = #map}, {transform_indices = #map}]} {
    %mul3A = arith.constant 640 : i32
    %mul3A_0 = arith.muli %arg1, %mul3A : i32
    %multiple_of3A = tpu.assume_multiple %mul3A_0, 640 : i32
    "tpu.region"() ({
      %run_scoped3A = tpu.sem_alloc : memref<!tpu.dma_semaphore, #tpu.memory_space<semaphore_mem>>
      %dma_start3A = arith.constant 0 : i32
      %dma_start3A_19 = tpu.memref_slice %arg13[%multiple_of3A, %dma_start3A] : memref<10240x152xf32, #tpu.memory_space<vmem_shared>> -> memref<640x152xf32, #tpu.memory_space<vmem_shared>>
      tpu.enqueue_dma source(%arg6 : memref<640x152xf32, #tpu.memory_space<hbm>>) target(%dma_start3A_19 : memref<640x152xf32, #tpu.memory_space<vmem_shared>>) target_semaphore(%run_scoped3A : memref<!tpu.dma_semaphore, #tpu.memory_space<semaphore_mem>>)
      %dma_wait3A = arith.constant 0 : i32
      %dma_wait3A_20 = tpu.memref_slice %arg13[%multiple_of3A, %dma_wait3A] : memref<10240x152xf32, #tpu.memory_space<vmem_shared>> -> memref<640x152xf32, #tpu.memory_space<vmem_shared>>
      tpu.wait_dma2 semaphore(%run_scoped3A : memref<!tpu.dma_semaphore, #tpu.memory_space<semaphore_mem>>) src(%arg6 : memref<640x152xf32, #tpu.memory_space<hbm>>) dst(%dma_wait3A_20 : memref<640x152xf32, #tpu.memory_space<vmem_shared>>)
      tpu.yield
    }) : () -> ()
    "tpu.region"() ({
      %run_scoped3A = tpu.sem_alloc : memref<!tpu.dma_semaphore, #tpu.memory_space<semaphore_mem>>
      %dma_start3A = arith.constant 0 : i32
      %dma_start3A_19 = arith.constant 0 : i32
      %dma_start3A_20 = tpu.memref_slice %arg4[%arg1, %dma_start3A, %dma_start3A_19] : memref<16x250x40xi32, #tpu.memory_space<hbm>> -> memref<1x250x40xi32, #tpu.memory_space<hbm>>
      %dma_start3A_21 = tpu.memref_squeeze %dma_start3A_20 : memref<1x250x40xi32, #tpu.memory_space<hbm>> -> memref<250x40xi32, #tpu.memory_space<hbm>>
      %dma_start3A_22 = arith.constant 0 : i32
      %dma_start3A_23 = arith.constant 0 : i32
      %dma_start3A_24 = tpu.memref_slice %arg4[%arg1, %dma_start3A_22, %dma_start3A_23] : memref<16x250x40xi32, #tpu.memory_space<hbm>> -> memref<1x250x40xi32, #tpu.memory_space<hbm>>
      %dma_start3A_25 = tpu.memref_squeeze %dma_start3A_24 : memref<1x250x40xi32, #tpu.memory_space<hbm>> -> memref<250x40xi32, #tpu.memory_space<hbm>>
      tpu.enqueue_dma source(%dma_start3A_25 : memref<250x40xi32, #tpu.memory_space<hbm>>) target(%arg9 : memref<250x40xi32, #tpu.memory_space<vmem>>) target_semaphore(%run_scoped3A : memref<!tpu.dma_semaphore, #tpu.memory_space<semaphore_mem>>)
      %dma_wait3A = arith.constant 0 : i32
      %dma_wait3A_26 = arith.constant 0 : i32
      %dma_wait3A_27 = tpu.memref_slice %arg4[%arg1, %dma_wait3A, %dma_wait3A_26] : memref<16x250x40xi32, #tpu.memory_space<hbm>> -> memref<1x250x40xi32, #tpu.memory_space<hbm>>
      %dma_wait3A_28 = tpu.memref_squeeze %dma_wait3A_27 : memref<1x250x40xi32, #tpu.memory_space<hbm>> -> memref<250x40xi32, #tpu.memory_space<hbm>>
      %dma_wait3A_29 = arith.constant 0 : i32
      %dma_wait3A_30 = arith.constant 0 : i32
      %dma_wait3A_31 = tpu.memref_slice %arg4[%arg1, %dma_wait3A_29, %dma_wait3A_30] : memref<16x250x40xi32, #tpu.memory_space<hbm>> -> memref<1x250x40xi32, #tpu.memory_space<hbm>>
      %dma_wait3A_32 = tpu.memref_squeeze %dma_wait3A_31 : memref<1x250x40xi32, #tpu.memory_space<hbm>> -> memref<250x40xi32, #tpu.memory_space<hbm>>
      tpu.wait_dma2 semaphore(%run_scoped3A : memref<!tpu.dma_semaphore, #tpu.memory_space<semaphore_mem>>) src(%dma_wait3A_32 : memref<250x40xi32, #tpu.memory_space<hbm>>) dst(%arg9 : memref<250x40xi32, #tpu.memory_space<vmem>>)
      tpu.yield
    }) : () -> ()
    "tpu.region"() ({
      %run_scoped3A = tpu.sem_alloc : memref<!tpu.dma_semaphore, #tpu.memory_space<semaphore_mem>>
      %dma_start3A = arith.constant 0 : i32
      %dma_start3A_19 = arith.constant 0 : i32
      %dma_start3A_20 = tpu.memref_slice %arg5[%arg1, %dma_start3A, %dma_start3A_19] : memref<16x250x40xi32, #tpu.memory_space<hbm>> -> memref<1x250x40xi32, #tpu.memory_space<hbm>>
      %dma_start3A_21 = tpu.memref_squeeze %dma_start3A_20 : memref<1x250x40xi32, #tpu.memory_space<hbm>> -> memref<250x40xi32, #tpu.memory_space<hbm>>
      %dma_start3A_22 = arith.constant 0 : i32
      %dma_start3A_23 = arith.constant 0 : i32
      %dma_start3A_24 = tpu.memref_slice %arg5[%arg1, %dma_start3A_22, %dma_start3A_23] : memref<16x250x40xi32, #tpu.memory_space<hbm>> -> memref<1x250x40xi32, #tpu.memory_space<hbm>>
      %dma_start3A_25 = tpu.memref_squeeze %dma_start3A_24 : memref<1x250x40xi32, #tpu.memory_space<hbm>> -> memref<250x40xi32, #tpu.memory_space<hbm>>
      tpu.enqueue_dma source(%dma_start3A_25 : memref<250x40xi32, #tpu.memory_space<hbm>>) target(%arg10 : memref<250x40xi32, #tpu.memory_space<vmem>>) target_semaphore(%run_scoped3A : memref<!tpu.dma_semaphore, #tpu.memory_space<semaphore_mem>>)
      %dma_wait3A = arith.constant 0 : i32
      %dma_wait3A_26 = arith.constant 0 : i32
      %dma_wait3A_27 = tpu.memref_slice %arg5[%arg1, %dma_wait3A, %dma_wait3A_26] : memref<16x250x40xi32, #tpu.memory_space<hbm>> -> memref<1x250x40xi32, #tpu.memory_space<hbm>>
      %dma_wait3A_28 = tpu.memref_squeeze %dma_wait3A_27 : memref<1x250x40xi32, #tpu.memory_space<hbm>> -> memref<250x40xi32, #tpu.memory_space<hbm>>
      %dma_wait3A_29 = arith.constant 0 : i32
      %dma_wait3A_30 = arith.constant 0 : i32
      %dma_wait3A_31 = tpu.memref_slice %arg5[%arg1, %dma_wait3A_29, %dma_wait3A_30] : memref<16x250x40xi32, #tpu.memory_space<hbm>> -> memref<1x250x40xi32, #tpu.memory_space<hbm>>
      %dma_wait3A_32 = tpu.memref_squeeze %dma_wait3A_31 : memref<1x250x40xi32, #tpu.memory_space<hbm>> -> memref<250x40xi32, #tpu.memory_space<hbm>>
      tpu.wait_dma2 semaphore(%run_scoped3A : memref<!tpu.dma_semaphore, #tpu.memory_space<semaphore_mem>>) src(%dma_wait3A_32 : memref<250x40xi32, #tpu.memory_space<hbm>>) dst(%arg10 : memref<250x40xi32, #tpu.memory_space<vmem>>)
      tpu.yield
    }) : () -> ()
    %barrier3A = arith.constant 0 : index
    tpu.barrier barrier_id(%barrier3A)
    %eq3A = arith.constant 0 : i32
    %eq3A_1 = arith.cmpi eq, %arg0, %eq3A : i32
    %convert_element_type3A = arith.extui %eq3A_1 : i1 to i32
    %cond3A = arith.constant 0 : i32
    %cond3A_2 = arith.cmpi ne, %convert_element_type3A, %cond3A : i32
    scf.if %cond3A_2 {
      %dma_start3A = arith.constant 0 : i32
      %dma_start3A_19 = arith.constant 0 : i32
      %dma_start3A_20 = tpu.memref_slice %arg9[%dma_start3A, %dma_start3A_19] : memref<250x40xi32, #tpu.memory_space<vmem>> -> memref<1x40xi32, #tpu.memory_space<vmem>>
      %dma_start3A_21 = tpu.memref_squeeze %dma_start3A_20 : memref<1x40xi32, #tpu.memory_space<vmem>> -> memref<40xi32, #tpu.memory_space<vmem>>
      %dma_start3A_22 = arith.constant 0 : i32
      %dma_start3A_23 = arith.constant 0 : i32
      %dma_start3A_24 = tpu.memref_slice %arg2[%dma_start3A_22, %dma_start3A_23] : memref<10000x152xf32, #tpu.memory_space<hbm>> -> memref<10000x152xf32, #tpu.memory_space<hbm>>
      tpu.enqueue_indirect_dma source(%dma_start3A_24 : memref<10000x152xf32, #tpu.memory_space<hbm>>) target(%arg11 : memref<40x152xf32, #tpu.memory_space<vmem>>) offsets(%dma_start3A_21 : memref<40xi32, #tpu.memory_space<vmem>>) semaphore(%arg14 : memref<!tpu.dma_semaphore, #tpu.memory_space<semaphore_mem>>)
      %scan3A = arith.constant 0 : i32
      %scan3A_25 = arith.constant 0 : i32
      %scan3A_26 = arith.constant 125 : i32
      %scan3A_27 = arith.addi %scan3A_25, %scan3A_26 : i32
      %scan3A_28 = arith.constant 1 : i32
      scf.for %scan3A_30 = %scan3A_25 to %scan3A_27 step %scan3A_28  : i32 {
        %mul3A_31 = arith.constant 2 : i32
        %mul3A_32 = arith.muli %scan3A_30, %mul3A_31 : i32
        %add3A = arith.constant 1 : i32
        %add3A_33 = arith.addi %mul3A_32, %add3A : i32
        %dma_start3A_34 = arith.constant 0 : i32
        %dma_start3A_35 = tpu.memref_slice %arg9[%add3A_33, %dma_start3A_34] : memref<250x40xi32, #tpu.memory_space<vmem>> -> memref<1x40xi32, #tpu.memory_space<vmem>>
        %dma_start3A_36 = tpu.memref_squeeze %dma_start3A_35 : memref<1x40xi32, #tpu.memory_space<vmem>> -> memref<40xi32, #tpu.memory_space<vmem>>
        %dma_start3A_37 = arith.constant 0 : i32
        %dma_start3A_38 = arith.constant 0 : i32
        %dma_start3A_39 = tpu.memref_slice %arg2[%dma_start3A_37, %dma_start3A_38] : memref<10000x152xf32, #tpu.memory_space<hbm>> -> memref<10000x152xf32, #tpu.memory_space<hbm>>
        tpu.enqueue_indirect_dma source(%dma_start3A_39 : memref<10000x152xf32, #tpu.memory_space<hbm>>) target(%arg12 : memref<40x152xf32, #tpu.memory_space<vmem>>) offsets(%dma_start3A_36 : memref<40xi32, #tpu.memory_space<vmem>>) semaphore(%arg15 : memref<!tpu.dma_semaphore, #tpu.memory_space<semaphore_mem>>)
        %dma_wait3A = arith.constant 0 : i32
        %dma_wait3A_40 = tpu.memref_slice %arg9[%mul3A_32, %dma_wait3A] : memref<250x40xi32, #tpu.memory_space<vmem>> -> memref<1x40xi32, #tpu.memory_space<vmem>>
        %dma_wait3A_41 = tpu.memref_squeeze %dma_wait3A_40 : memref<1x40xi32, #tpu.memory_space<vmem>> -> memref<40xi32, #tpu.memory_space<vmem>>
        %dma_wait3A_42 = arith.constant 0 : i32
        %dma_wait3A_43 = arith.constant 0 : i32
        %dma_wait3A_44 = tpu.memref_slice %arg2[%dma_wait3A_42, %dma_wait3A_43] : memref<10000x152xf32, #tpu.memory_space<hbm>> -> memref<10000x152xf32, #tpu.memory_space<hbm>>
        tpu.wait_indirect_dma semaphore(%arg14 : memref<!tpu.dma_semaphore, #tpu.memory_space<semaphore_mem>>) src(%dma_wait3A_44 : memref<10000x152xf32, #tpu.memory_space<hbm>>) dst(%arg11 : memref<40x152xf32, #tpu.memory_space<vmem>>)
        "tpu.region"() ({
          %run_scoped3A = tpu.sem_alloc : memref<!tpu.dma_semaphore, #tpu.memory_space<semaphore_mem>>
          %dma_start3A_61 = arith.constant 0 : i32
          %dma_start3A_62 = tpu.memref_slice %arg10[%mul3A_32, %dma_start3A_61] : memref<250x40xi32, #tpu.memory_space<vmem>> -> memref<1x40xi32, #tpu.memory_space<vmem>>
          %dma_start3A_63 = tpu.memref_squeeze %dma_start3A_62 : memref<1x40xi32, #tpu.memory_space<vmem>> -> memref<40xi32, #tpu.memory_space<vmem>>
          %dma_start3A_64 = arith.constant 0 : i32
          %dma_start3A_65 = arith.constant 0 : i32
          %dma_start3A_66 = tpu.memref_slice %arg13[%dma_start3A_64, %dma_start3A_65] : memref<10240x152xf32, #tpu.memory_space<vmem_shared>> -> memref<10240x152xf32, #tpu.memory_space<vmem_shared>>
          tpu.enqueue_indirect_dma source(%arg11 : memref<40x152xf32, #tpu.memory_space<vmem>>) target(%dma_start3A_66 : memref<10240x152xf32, #tpu.memory_space<vmem_shared>>) offsets(%dma_start3A_63 : memref<40xi32, #tpu.memory_space<vmem>>) semaphore(%run_scoped3A : memref<!tpu.dma_semaphore, #tpu.memory_space<semaphore_mem>>) {add = true}
          %dma_wait3A_67 = arith.constant 0 : i32
          %dma_wait3A_68 = tpu.memref_slice %arg10[%mul3A_32, %dma_wait3A_67] : memref<250x40xi32, #tpu.memory_space<vmem>> -> memref<1x40xi32, #tpu.memory_space<vmem>>
          %dma_wait3A_69 = tpu.memref_squeeze %dma_wait3A_68 : memref<1x40xi32, #tpu.memory_space<vmem>> -> memref<40xi32, #tpu.memory_space<vmem>>
          %dma_wait3A_70 = arith.constant 0 : i32
          %dma_wait3A_71 = arith.constant 0 : i32
          %dma_wait3A_72 = tpu.memref_slice %arg13[%dma_wait3A_70, %dma_wait3A_71] : memref<10240x152xf32, #tpu.memory_space<vmem_shared>> -> memref<10240x152xf32, #tpu.memory_space<vmem_shared>>
          tpu.wait_indirect_dma semaphore(%run_scoped3A : memref<!tpu.dma_semaphore, #tpu.memory_space<semaphore_mem>>) src(%arg11 : memref<40x152xf32, #tpu.memory_space<vmem>>) dst(%dma_wait3A_72 : memref<10240x152xf32, #tpu.memory_space<vmem_shared>>)
          tpu.yield
        }) : () -> ()
        %add3A_45 = arith.constant 1 : i32
        %add3A_46 = arith.addi %scan3A_30, %add3A_45 : i32
        %lt3A = arith.constant 125 : i32
        %lt3A_47 = arith.cmpi slt, %add3A_46, %lt3A : i32
        %convert_element_type3A_48 = arith.extui %lt3A_47 : i1 to i32
        %cond3A_49 = arith.constant 0 : i32
        %cond3A_50 = arith.cmpi ne, %convert_element_type3A_48, %cond3A_49 : i32
        scf.if %cond3A_50 {
          %add3A_61 = arith.constant 2 : i32
          %add3A_62 = arith.addi %mul3A_32, %add3A_61 : i32
          %dma_start3A_63 = arith.constant 0 : i32
          %dma_start3A_64 = tpu.memref_slice %arg9[%add3A_62, %dma_start3A_63] : memref<250x40xi32, #tpu.memory_space<vmem>> -> memref<1x40xi32, #tpu.memory_space<vmem>>
          %dma_start3A_65 = tpu.memref_squeeze %dma_start3A_64 : memref<1x40xi32, #tpu.memory_space<vmem>> -> memref<40xi32, #tpu.memory_space<vmem>>
          %dma_start3A_66 = arith.constant 0 : i32
          %dma_start3A_67 = arith.constant 0 : i32
          %dma_start3A_68 = tpu.memref_slice %arg2[%dma_start3A_66, %dma_start3A_67] : memref<10000x152xf32, #tpu.memory_space<hbm>> -> memref<10000x152xf32, #tpu.memory_space<hbm>>
          tpu.enqueue_indirect_dma source(%dma_start3A_68 : memref<10000x152xf32, #tpu.memory_space<hbm>>) target(%arg11 : memref<40x152xf32, #tpu.memory_space<vmem>>) offsets(%dma_start3A_65 : memref<40xi32, #tpu.memory_space<vmem>>) semaphore(%arg14 : memref<!tpu.dma_semaphore, #tpu.memory_space<semaphore_mem>>)
        } else {
        }
        %add3A_51 = arith.constant 1 : i32
        %add3A_52 = arith.addi %mul3A_32, %add3A_51 : i32
        %dma_wait3A_53 = arith.constant 0 : i32
        %dma_wait3A_54 = tpu.memref_slice %arg9[%add3A_52, %dma_wait3A_53] : memref<250x40xi32, #tpu.memory_space<vmem>> -> memref<1x40xi32, #tpu.memory_space<vmem>>
        %dma_wait3A_55 = tpu.memref_squeeze %dma_wait3A_54 : memref<1x40xi32, #tpu.memory_space<vmem>> -> memref<40xi32, #tpu.memory_space<vmem>>
        %dma_wait3A_56 = arith.constant 0 : i32
        %dma_wait3A_57 = arith.constant 0 : i32
        %dma_wait3A_58 = tpu.memref_slice %arg2[%dma_wait3A_56, %dma_wait3A_57] : memref<10000x152xf32, #tpu.memory_space<hbm>> -> memref<10000x152xf32, #tpu.memory_space<hbm>>
        tpu.wait_indirect_dma semaphore(%arg15 : memref<!tpu.dma_semaphore, #tpu.memory_space<semaphore_mem>>) src(%dma_wait3A_58 : memref<10000x152xf32, #tpu.memory_space<hbm>>) dst(%arg12 : memref<40x152xf32, #tpu.memory_space<vmem>>)
        %add3A_59 = arith.constant 1 : i32
        %add3A_60 = arith.addi %mul3A_32, %add3A_59 : i32
        "tpu.region"() ({
          %run_scoped3A = tpu.sem_alloc : memref<!tpu.dma_semaphore, #tpu.memory_space<semaphore_mem>>
          %dma_start3A_61 = arith.constant 0 : i32
          %dma_start3A_62 = tpu.memref_slice %arg10[%add3A_60, %dma_start3A_61] : memref<250x40xi32, #tpu.memory_space<vmem>> -> memref<1x40xi32, #tpu.memory_space<vmem>>
          %dma_start3A_63 = tpu.memref_squeeze %dma_start3A_62 : memref<1x40xi32, #tpu.memory_space<vmem>> -> memref<40xi32, #tpu.memory_space<vmem>>
          %dma_start3A_64 = arith.constant 0 : i32
          %dma_start3A_65 = arith.constant 0 : i32
          %dma_start3A_66 = tpu.memref_slice %arg13[%dma_start3A_64, %dma_start3A_65] : memref<10240x152xf32, #tpu.memory_space<vmem_shared>> -> memref<10240x152xf32, #tpu.memory_space<vmem_shared>>
          tpu.enqueue_indirect_dma source(%arg12 : memref<40x152xf32, #tpu.memory_space<vmem>>) target(%dma_start3A_66 : memref<10240x152xf32, #tpu.memory_space<vmem_shared>>) offsets(%dma_start3A_63 : memref<40xi32, #tpu.memory_space<vmem>>) semaphore(%run_scoped3A : memref<!tpu.dma_semaphore, #tpu.memory_space<semaphore_mem>>) {add = true}
          %dma_wait3A_67 = arith.constant 0 : i32
          %dma_wait3A_68 = tpu.memref_slice %arg10[%add3A_60, %dma_wait3A_67] : memref<250x40xi32, #tpu.memory_space<vmem>> -> memref<1x40xi32, #tpu.memory_space<vmem>>
          %dma_wait3A_69 = tpu.memref_squeeze %dma_wait3A_68 : memref<1x40xi32, #tpu.memory_space<vmem>> -> memref<40xi32, #tpu.memory_space<vmem>>
          %dma_wait3A_70 = arith.constant 0 : i32
          %dma_wait3A_71 = arith.constant 0 : i32
          %dma_wait3A_72 = tpu.memref_slice %arg13[%dma_wait3A_70, %dma_wait3A_71] : memref<10240x152xf32, #tpu.memory_space<vmem_shared>> -> memref<10240x152xf32, #tpu.memory_space<vmem_shared>>
          tpu.wait_indirect_dma semaphore(%run_scoped3A : memref<!tpu.dma_semaphore, #tpu.memory_space<semaphore_mem>>) src(%arg12 : memref<40x152xf32, #tpu.memory_space<vmem>>) dst(%dma_wait3A_72 : memref<10240x152xf32, #tpu.memory_space<vmem_shared>>)
          tpu.yield
        }) : () -> ()
      }
      %scan3A_29 = arith.constant 125 : i32
    } else {
    }
    %eq3A_3 = arith.constant 1 : i32
    %eq3A_4 = arith.cmpi eq, %arg0, %eq3A_3 : i32
    %convert_element_type3A_5 = arith.extui %eq3A_4 : i1 to i32
    %cond3A_6 = arith.constant 0 : i32
    %cond3A_7 = arith.cmpi ne, %convert_element_type3A_5, %cond3A_6 : i32
    scf.if %cond3A_7 {
      %dma_start3A = arith.constant 0 : i32
      %dma_start3A_19 = arith.constant 0 : i32
      %dma_start3A_20 = tpu.memref_slice %arg9[%dma_start3A, %dma_start3A_19] : memref<250x40xi32, #tpu.memory_space<vmem>> -> memref<1x40xi32, #tpu.memory_space<vmem>>
      %dma_start3A_21 = tpu.memref_squeeze %dma_start3A_20 : memref<1x40xi32, #tpu.memory_space<vmem>> -> memref<40xi32, #tpu.memory_space<vmem>>
      %dma_start3A_22 = arith.constant 0 : i32
      %dma_start3A_23 = arith.constant 0 : i32
      %dma_start3A_24 = tpu.memref_slice %arg3[%dma_start3A_22, %dma_start3A_23] : memref<10000x152xf32, #tpu.memory_space<hbm>> -> memref<10000x152xf32, #tpu.memory_space<hbm>>
      tpu.enqueue_indirect_dma source(%dma_start3A_24 : memref<10000x152xf32, #tpu.memory_space<hbm>>) target(%arg11 : memref<40x152xf32, #tpu.memory_space<vmem>>) offsets(%dma_start3A_21 : memref<40xi32, #tpu.memory_space<vmem>>) semaphore(%arg14 : memref<!tpu.dma_semaphore, #tpu.memory_space<semaphore_mem>>)
      %scan3A = arith.constant 0 : i32
      %scan3A_25 = arith.constant 0 : i32
      %scan3A_26 = arith.constant 125 : i32
      %scan3A_27 = arith.addi %scan3A_25, %scan3A_26 : i32
      %scan3A_28 = arith.constant 1 : i32
      scf.for %scan3A_30 = %scan3A_25 to %scan3A_27 step %scan3A_28  : i32 {
        %mul3A_31 = arith.constant 2 : i32
        %mul3A_32 = arith.muli %scan3A_30, %mul3A_31 : i32
        %add3A = arith.constant 1 : i32
        %add3A_33 = arith.addi %mul3A_32, %add3A : i32
        %dma_start3A_34 = arith.constant 0 : i32
        %dma_start3A_35 = tpu.memref_slice %arg9[%add3A_33, %dma_start3A_34] : memref<250x40xi32, #tpu.memory_space<vmem>> -> memref<1x40xi32, #tpu.memory_space<vmem>>
        %dma_start3A_36 = tpu.memref_squeeze %dma_start3A_35 : memref<1x40xi32, #tpu.memory_space<vmem>> -> memref<40xi32, #tpu.memory_space<vmem>>
        %dma_start3A_37 = arith.constant 0 : i32
        %dma_start3A_38 = arith.constant 0 : i32
        %dma_start3A_39 = tpu.memref_slice %arg3[%dma_start3A_37, %dma_start3A_38] : memref<10000x152xf32, #tpu.memory_space<hbm>> -> memref<10000x152xf32, #tpu.memory_space<hbm>>
        tpu.enqueue_indirect_dma source(%dma_start3A_39 : memref<10000x152xf32, #tpu.memory_space<hbm>>) target(%arg12 : memref<40x152xf32, #tpu.memory_space<vmem>>) offsets(%dma_start3A_36 : memref<40xi32, #tpu.memory_space<vmem>>) semaphore(%arg15 : memref<!tpu.dma_semaphore, #tpu.memory_space<semaphore_mem>>)
        %dma_wait3A = arith.constant 0 : i32
        %dma_wait3A_40 = tpu.memref_slice %arg9[%mul3A_32, %dma_wait3A] : memref<250x40xi32, #tpu.memory_space<vmem>> -> memref<1x40xi32, #tpu.memory_space<vmem>>
        %dma_wait3A_41 = tpu.memref_squeeze %dma_wait3A_40 : memref<1x40xi32, #tpu.memory_space<vmem>> -> memref<40xi32, #tpu.memory_space<vmem>>
        %dma_wait3A_42 = arith.constant 0 : i32
        %dma_wait3A_43 = arith.constant 0 : i32
        %dma_wait3A_44 = tpu.memref_slice %arg3[%dma_wait3A_42, %dma_wait3A_43] : memref<10000x152xf32, #tpu.memory_space<hbm>> -> memref<10000x152xf32, #tpu.memory_space<hbm>>
        tpu.wait_indirect_dma semaphore(%arg14 : memref<!tpu.dma_semaphore, #tpu.memory_space<semaphore_mem>>) src(%dma_wait3A_44 : memref<10000x152xf32, #tpu.memory_space<hbm>>) dst(%arg11 : memref<40x152xf32, #tpu.memory_space<vmem>>)
        "tpu.region"() ({
          %run_scoped3A = tpu.sem_alloc : memref<!tpu.dma_semaphore, #tpu.memory_space<semaphore_mem>>
          %dma_start3A_61 = arith.constant 0 : i32
          %dma_start3A_62 = tpu.memref_slice %arg10[%mul3A_32, %dma_start3A_61] : memref<250x40xi32, #tpu.memory_space<vmem>> -> memref<1x40xi32, #tpu.memory_space<vmem>>
          %dma_start3A_63 = tpu.memref_squeeze %dma_start3A_62 : memref<1x40xi32, #tpu.memory_space<vmem>> -> memref<40xi32, #tpu.memory_space<vmem>>
          %dma_start3A_64 = arith.constant 0 : i32
          %dma_start3A_65 = arith.constant 0 : i32
          %dma_start3A_66 = tpu.memref_slice %arg13[%dma_start3A_64, %dma_start3A_65] : memref<10240x152xf32, #tpu.memory_space<vmem_shared>> -> memref<10240x152xf32, #tpu.memory_space<vmem_shared>>
          tpu.enqueue_indirect_dma source(%arg11 : memref<40x152xf32, #tpu.memory_space<vmem>>) target(%dma_start3A_66 : memref<10240x152xf32, #tpu.memory_space<vmem_shared>>) offsets(%dma_start3A_63 : memref<40xi32, #tpu.memory_space<vmem>>) semaphore(%run_scoped3A : memref<!tpu.dma_semaphore, #tpu.memory_space<semaphore_mem>>) {add = true}
          %dma_wait3A_67 = arith.constant 0 : i32
          %dma_wait3A_68 = tpu.memref_slice %arg10[%mul3A_32, %dma_wait3A_67] : memref<250x40xi32, #tpu.memory_space<vmem>> -> memref<1x40xi32, #tpu.memory_space<vmem>>
          %dma_wait3A_69 = tpu.memref_squeeze %dma_wait3A_68 : memref<1x40xi32, #tpu.memory_space<vmem>> -> memref<40xi32, #tpu.memory_space<vmem>>
          %dma_wait3A_70 = arith.constant 0 : i32
          %dma_wait3A_71 = arith.constant 0 : i32
          %dma_wait3A_72 = tpu.memref_slice %arg13[%dma_wait3A_70, %dma_wait3A_71] : memref<10240x152xf32, #tpu.memory_space<vmem_shared>> -> memref<10240x152xf32, #tpu.memory_space<vmem_shared>>
          tpu.wait_indirect_dma semaphore(%run_scoped3A : memref<!tpu.dma_semaphore, #tpu.memory_space<semaphore_mem>>) src(%arg11 : memref<40x152xf32, #tpu.memory_space<vmem>>) dst(%dma_wait3A_72 : memref<10240x152xf32, #tpu.memory_space<vmem_shared>>)
          tpu.yield
        }) : () -> ()
        %add3A_45 = arith.constant 1 : i32
        %add3A_46 = arith.addi %scan3A_30, %add3A_45 : i32
        %lt3A = arith.constant 125 : i32
        %lt3A_47 = arith.cmpi slt, %add3A_46, %lt3A : i32
        %convert_element_type3A_48 = arith.extui %lt3A_47 : i1 to i32
        %cond3A_49 = arith.constant 0 : i32
        %cond3A_50 = arith.cmpi ne, %convert_element_type3A_48, %cond3A_49 : i32
        scf.if %cond3A_50 {
          %add3A_61 = arith.constant 2 : i32
          %add3A_62 = arith.addi %mul3A_32, %add3A_61 : i32
          %dma_start3A_63 = arith.constant 0 : i32
          %dma_start3A_64 = tpu.memref_slice %arg9[%add3A_62, %dma_start3A_63] : memref<250x40xi32, #tpu.memory_space<vmem>> -> memref<1x40xi32, #tpu.memory_space<vmem>>
          %dma_start3A_65 = tpu.memref_squeeze %dma_start3A_64 : memref<1x40xi32, #tpu.memory_space<vmem>> -> memref<40xi32, #tpu.memory_space<vmem>>
          %dma_start3A_66 = arith.constant 0 : i32
          %dma_start3A_67 = arith.constant 0 : i32
          %dma_start3A_68 = tpu.memref_slice %arg3[%dma_start3A_66, %dma_start3A_67] : memref<10000x152xf32, #tpu.memory_space<hbm>> -> memref<10000x152xf32, #tpu.memory_space<hbm>>
          tpu.enqueue_indirect_dma source(%dma_start3A_68 : memref<10000x152xf32, #tpu.memory_space<hbm>>) target(%arg11 : memref<40x152xf32, #tpu.memory_space<vmem>>) offsets(%dma_start3A_65 : memref<40xi32, #tpu.memory_space<vmem>>) semaphore(%arg14 : memref<!tpu.dma_semaphore, #tpu.memory_space<semaphore_mem>>)
        } else {
        }
        %add3A_51 = arith.constant 1 : i32
        %add3A_52 = arith.addi %mul3A_32, %add3A_51 : i32
        %dma_wait3A_53 = arith.constant 0 : i32
        %dma_wait3A_54 = tpu.memref_slice %arg9[%add3A_52, %dma_wait3A_53] : memref<250x40xi32, #tpu.memory_space<vmem>> -> memref<1x40xi32, #tpu.memory_space<vmem>>
        %dma_wait3A_55 = tpu.memref_squeeze %dma_wait3A_54 : memref<1x40xi32, #tpu.memory_space<vmem>> -> memref<40xi32, #tpu.memory_space<vmem>>
        %dma_wait3A_56 = arith.constant 0 : i32
        %dma_wait3A_57 = arith.constant 0 : i32
        %dma_wait3A_58 = tpu.memref_slice %arg3[%dma_wait3A_56, %dma_wait3A_57] : memref<10000x152xf32, #tpu.memory_space<hbm>> -> memref<10000x152xf32, #tpu.memory_space<hbm>>
        tpu.wait_indirect_dma semaphore(%arg15 : memref<!tpu.dma_semaphore, #tpu.memory_space<semaphore_mem>>) src(%dma_wait3A_58 : memref<10000x152xf32, #tpu.memory_space<hbm>>) dst(%arg12 : memref<40x152xf32, #tpu.memory_space<vmem>>)
        %add3A_59 = arith.constant 1 : i32
        %add3A_60 = arith.addi %mul3A_32, %add3A_59 : i32
        "tpu.region"() ({
          %run_scoped3A = tpu.sem_alloc : memref<!tpu.dma_semaphore, #tpu.memory_space<semaphore_mem>>
          %dma_start3A_61 = arith.constant 0 : i32
          %dma_start3A_62 = tpu.memref_slice %arg10[%add3A_60, %dma_start3A_61] : memref<250x40xi32, #tpu.memory_space<vmem>> -> memref<1x40xi32, #tpu.memory_space<vmem>>
          %dma_start3A_63 = tpu.memref_squeeze %dma_start3A_62 : memref<1x40xi32, #tpu.memory_space<vmem>> -> memref<40xi32, #tpu.memory_space<vmem>>
          %dma_start3A_64 = arith.constant 0 : i32
          %dma_start3A_65 = arith.constant 0 : i32
          %dma_start3A_66 = tpu.memref_slice %arg13[%dma_start3A_64, %dma_start3A_65] : memref<10240x152xf32, #tpu.memory_space<vmem_shared>> -> memref<10240x152xf32, #tpu.memory_space<vmem_shared>>
          tpu.enqueue_indirect_dma source(%arg12 : memref<40x152xf32, #tpu.memory_space<vmem>>) target(%dma_start3A_66 : memref<10240x152xf32, #tpu.memory_space<vmem_shared>>) offsets(%dma_start3A_63 : memref<40xi32, #tpu.memory_space<vmem>>) semaphore(%run_scoped3A : memref<!tpu.dma_semaphore, #tpu.memory_space<semaphore_mem>>) {add = true}
          %dma_wait3A_67 = arith.constant 0 : i32
          %dma_wait3A_68 = tpu.memref_slice %arg10[%add3A_60, %dma_wait3A_67] : memref<250x40xi32, #tpu.memory_space<vmem>> -> memref<1x40xi32, #tpu.memory_space<vmem>>
          %dma_wait3A_69 = tpu.memref_squeeze %dma_wait3A_68 : memref<1x40xi32, #tpu.memory_space<vmem>> -> memref<40xi32, #tpu.memory_space<vmem>>
          %dma_wait3A_70 = arith.constant 0 : i32
          %dma_wait3A_71 = arith.constant 0 : i32
          %dma_wait3A_72 = tpu.memref_slice %arg13[%dma_wait3A_70, %dma_wait3A_71] : memref<10240x152xf32, #tpu.memory_space<vmem_shared>> -> memref<10240x152xf32, #tpu.memory_space<vmem_shared>>
          tpu.wait_indirect_dma semaphore(%run_scoped3A : memref<!tpu.dma_semaphore, #tpu.memory_space<semaphore_mem>>) src(%arg12 : memref<40x152xf32, #tpu.memory_space<vmem>>) dst(%dma_wait3A_72 : memref<10240x152xf32, #tpu.memory_space<vmem_shared>>)
          tpu.yield
        }) : () -> ()
      }
      %scan3A_29 = arith.constant 125 : i32
    } else {
    }
    %barrier3A_8 = arith.constant 0 : index
    tpu.barrier barrier_id(%barrier3A_8)
    %eq3A_9 = arith.constant 0 : i32
    %eq3A_10 = arith.cmpi eq, %arg0, %eq3A_9 : i32
    %convert_element_type3A_11 = arith.extui %eq3A_10 : i1 to i32
    %cond3A_12 = arith.constant 0 : i32
    %cond3A_13 = arith.cmpi ne, %convert_element_type3A_11, %cond3A_12 : i32
    scf.if %cond3A_13 {
      "tpu.region"() ({
        %run_scoped3A = tpu.sem_alloc : memref<!tpu.dma_semaphore, #tpu.memory_space<semaphore_mem>>
        %dma_start3A = arith.constant 0 : i32
        %dma_start3A_19 = tpu.memref_slice %arg7[%multiple_of3A, %dma_start3A] : memref<10240x152xf32, #tpu.memory_space<hbm>> -> memref<640x152xf32, #tpu.memory_space<hbm>>
        %dma_start3A_20 = arith.constant 0 : i32
        %dma_start3A_21 = tpu.memref_slice %arg13[%multiple_of3A, %dma_start3A_20] : memref<10240x152xf32, #tpu.memory_space<vmem_shared>> -> memref<640x152xf32, #tpu.memory_space<vmem_shared>>
        tpu.enqueue_dma source(%dma_start3A_21 : memref<640x152xf32, #tpu.memory_space<vmem_shared>>) target(%dma_start3A_19 : memref<640x152xf32, #tpu.memory_space<hbm>>) target_semaphore(%run_scoped3A : memref<!tpu.dma_semaphore, #tpu.memory_space<semaphore_mem>>)
        %dma_wait3A = arith.constant 0 : i32
        %dma_wait3A_22 = tpu.memref_slice %arg7[%multiple_of3A, %dma_wait3A] : memref<10240x152xf32, #tpu.memory_space<hbm>> -> memref<640x152xf32, #tpu.memory_space<hbm>>
        %dma_wait3A_23 = arith.constant 0 : i32
        %dma_wait3A_24 = tpu.memref_slice %arg13[%multiple_of3A, %dma_wait3A_23] : memref<10240x152xf32, #tpu.memory_space<vmem_shared>> -> memref<640x152xf32, #tpu.memory_space<vmem_shared>>
        tpu.wait_dma2 semaphore(%run_scoped3A : memref<!tpu.dma_semaphore, #tpu.memory_space<semaphore_mem>>) src(%dma_wait3A_24 : memref<640x152xf32, #tpu.memory_space<vmem_shared>>) dst(%dma_wait3A_22 : memref<640x152xf32, #tpu.memory_space<hbm>>)
        tpu.yield
      }) : () -> ()
    } else {
    }
    %eq3A_14 = arith.constant 1 : i32
    %eq3A_15 = arith.cmpi eq, %arg0, %eq3A_14 : i32
    %convert_element_type3A_16 = arith.extui %eq3A_15 : i1 to i32
    %cond3A_17 = arith.constant 0 : i32
    %cond3A_18 = arith.cmpi ne, %convert_element_type3A_16, %cond3A_17 : i32
    scf.if %cond3A_18 {
      "tpu.region"() ({
        %run_scoped3A = tpu.sem_alloc : memref<!tpu.dma_semaphore, #tpu.memory_space<semaphore_mem>>
        %dma_start3A = arith.constant 0 : i32
        %dma_start3A_19 = tpu.memref_slice %arg8[%multiple_of3A, %dma_start3A] : memref<10240x152xf32, #tpu.memory_space<hbm>> -> memref<640x152xf32, #tpu.memory_space<hbm>>
        %dma_start3A_20 = arith.constant 0 : i32
        %dma_start3A_21 = tpu.memref_slice %arg13[%multiple_of3A, %dma_start3A_20] : memref<10240x152xf32, #tpu.memory_space<vmem_shared>> -> memref<640x152xf32, #tpu.memory_space<vmem_shared>>
        tpu.enqueue_dma source(%dma_start3A_21 : memref<640x152xf32, #tpu.memory_space<vmem_shared>>) target(%dma_start3A_19 : memref<640x152xf32, #tpu.memory_space<hbm>>) target_semaphore(%run_scoped3A : memref<!tpu.dma_semaphore, #tpu.memory_space<semaphore_mem>>)
        %dma_wait3A = arith.constant 0 : i32
        %dma_wait3A_22 = tpu.memref_slice %arg8[%multiple_of3A, %dma_wait3A] : memref<10240x152xf32, #tpu.memory_space<hbm>> -> memref<640x152xf32, #tpu.memory_space<hbm>>
        %dma_wait3A_23 = arith.constant 0 : i32
        %dma_wait3A_24 = tpu.memref_slice %arg13[%multiple_of3A, %dma_wait3A_23] : memref<10240x152xf32, #tpu.memory_space<vmem_shared>> -> memref<640x152xf32, #tpu.memory_space<vmem_shared>>
        tpu.wait_dma2 semaphore(%run_scoped3A : memref<!tpu.dma_semaphore, #tpu.memory_space<semaphore_mem>>) src(%dma_wait3A_24 : memref<640x152xf32, #tpu.memory_space<vmem_shared>>) dst(%dma_wait3A_22 : memref<640x152xf32, #tpu.memory_space<hbm>>)
        tpu.yield
      }) : () -> ()
    } else {
    }
    return
  }
}

#map = affine_map<(d0, d1) -> (0, 0)>
#map1 = affine_map<(d0, d1) -> (0, 0, 0)>
module attributes {stable_mosaic.version = 14 : i64} {
  func.func @_sc_body(%arg0: i32, %arg1: i32, %arg2: memref<10000x152xf32, #tpu.memory_space<hbm>>, %arg3: memref<10000x152xf32, #tpu.memory_space<hbm>>, %arg4: memref<16x250x40xi32, #tpu.memory_space<hbm>>, %arg5: memref<16x250x40xi32, #tpu.memory_space<hbm>>, %arg6: memref<640x152xf32, #tpu.memory_space<hbm>>, %arg7: memref<10240x152xf32, #tpu.memory_space<hbm>>, %arg8: memref<10240x152xf32, #tpu.memory_space<hbm>>, %arg9: memref<250x40xi32, #tpu.memory_space<vmem>>, %arg10: memref<250x40xi32, #tpu.memory_space<vmem>>, %arg11: memref<40x152xf32, #tpu.memory_space<vmem>>, %arg12: memref<40x152xf32, #tpu.memory_space<vmem>>, %arg13: memref<10240x152xf32, #tpu.memory_space<vmem_shared>>, %arg14: memref<!tpu.dma_semaphore, #tpu.memory_space<semaphore_mem>>, %arg15: memref<!tpu.dma_semaphore, #tpu.memory_space<semaphore_mem>>) attributes {dimension_semantics = [#tpu.dimension_semantics<core_parallel>, #tpu.dimension_semantics<subcore_parallel>], iteration_bounds = array<i64: 2, 16>, scalar_prefetch = 0 : i64, scratch_operands = 7 : i64, tpu.core_type = #tpu.core_type<sc_vector_subcore>, window_params = [{transform_indices = #map}, {transform_indices = #map}, {transform_indices = #map1}, {transform_indices = #map1}, {transform_indices = #map}, {transform_indices = #map}, {transform_indices = #map}]} {
    %mul3A = arith.constant 640 : i32
    %mul3A_0 = arith.muli %arg1, %mul3A : i32
    %multiple_of3A = tpu.assume_multiple %mul3A_0, 640 : i32
    "tpu.region"() ({
      %run_scoped3A = tpu.sem_alloc : memref<!tpu.dma_semaphore, #tpu.memory_space<semaphore_mem>>
      %dma_start3A = arith.constant 0 : i32
      %dma_start3A_19 = tpu.memref_slice %arg13[%multiple_of3A, %dma_start3A] : memref<10240x152xf32, #tpu.memory_space<vmem_shared>> -> memref<640x152xf32, #tpu.memory_space<vmem_shared>>
      tpu.enqueue_dma source(%arg6 : memref<640x152xf32, #tpu.memory_space<hbm>>) target(%dma_start3A_19 : memref<640x152xf32, #tpu.memory_space<vmem_shared>>) target_semaphore(%run_scoped3A : memref<!tpu.dma_semaphore, #tpu.memory_space<semaphore_mem>>)
      %dma_wait3A = arith.constant 0 : i32
      %dma_wait3A_20 = tpu.memref_slice %arg13[%multiple_of3A, %dma_wait3A] : memref<10240x152xf32, #tpu.memory_space<vmem_shared>> -> memref<640x152xf32, #tpu.memory_space<vmem_shared>>
      tpu.wait_dma2 semaphore(%run_scoped3A : memref<!tpu.dma_semaphore, #tpu.memory_space<semaphore_mem>>) src(%arg6 : memref<640x152xf32, #tpu.memory_space<hbm>>) dst(%dma_wait3A_20 : memref<640x152xf32, #tpu.memory_space<vmem_shared>>)
      tpu.yield
    }) : () -> ()
    "tpu.region"() ({
      %run_scoped3A = tpu.sem_alloc : memref<!tpu.dma_semaphore, #tpu.memory_space<semaphore_mem>>
      %dma_start3A = arith.constant 0 : i32
      %dma_start3A_19 = arith.constant 0 : i32
      %dma_start3A_20 = tpu.memref_slice %arg4[%arg1, %dma_start3A, %dma_start3A_19] : memref<16x250x40xi32, #tpu.memory_space<hbm>> -> memref<1x250x40xi32, #tpu.memory_space<hbm>>
      %dma_start3A_21 = tpu.memref_squeeze %dma_start3A_20 : memref<1x250x40xi32, #tpu.memory_space<hbm>> -> memref<250x40xi32, #tpu.memory_space<hbm>>
      %dma_start3A_22 = arith.constant 0 : i32
      %dma_start3A_23 = arith.constant 0 : i32
      %dma_start3A_24 = tpu.memref_slice %arg4[%arg1, %dma_start3A_22, %dma_start3A_23] : memref<16x250x40xi32, #tpu.memory_space<hbm>> -> memref<1x250x40xi32, #tpu.memory_space<hbm>>
      %dma_start3A_25 = tpu.memref_squeeze %dma_start3A_24 : memref<1x250x40xi32, #tpu.memory_space<hbm>> -> memref<250x40xi32, #tpu.memory_space<hbm>>
      tpu.enqueue_dma source(%dma_start3A_25 : memref<250x40xi32, #tpu.memory_space<hbm>>) target(%arg9 : memref<250x40xi32, #tpu.memory_space<vmem>>) target_semaphore(%run_scoped3A : memref<!tpu.dma_semaphore, #tpu.memory_space<semaphore_mem>>)
      %dma_wait3A = arith.constant 0 : i32
      %dma_wait3A_26 = arith.constant 0 : i32
      %dma_wait3A_27 = tpu.memref_slice %arg4[%arg1, %dma_wait3A, %dma_wait3A_26] : memref<16x250x40xi32, #tpu.memory_space<hbm>> -> memref<1x250x40xi32, #tpu.memory_space<hbm>>
      %dma_wait3A_28 = tpu.memref_squeeze %dma_wait3A_27 : memref<1x250x40xi32, #tpu.memory_space<hbm>> -> memref<250x40xi32, #tpu.memory_space<hbm>>
      %dma_wait3A_29 = arith.constant 0 : i32
      %dma_wait3A_30 = arith.constant 0 : i32
      %dma_wait3A_31 = tpu.memref_slice %arg4[%arg1, %dma_wait3A_29, %dma_wait3A_30] : memref<16x250x40xi32, #tpu.memory_space<hbm>> -> memref<1x250x40xi32, #tpu.memory_space<hbm>>
      %dma_wait3A_32 = tpu.memref_squeeze %dma_wait3A_31 : memref<1x250x40xi32, #tpu.memory_space<hbm>> -> memref<250x40xi32, #tpu.memory_space<hbm>>
      tpu.wait_dma2 semaphore(%run_scoped3A : memref<!tpu.dma_semaphore, #tpu.memory_space<semaphore_mem>>) src(%dma_wait3A_32 : memref<250x40xi32, #tpu.memory_space<hbm>>) dst(%arg9 : memref<250x40xi32, #tpu.memory_space<vmem>>)
      tpu.yield
    }) : () -> ()
    "tpu.region"() ({
      %run_scoped3A = tpu.sem_alloc : memref<!tpu.dma_semaphore, #tpu.memory_space<semaphore_mem>>
      %dma_start3A = arith.constant 0 : i32
      %dma_start3A_19 = arith.constant 0 : i32
      %dma_start3A_20 = tpu.memref_slice %arg5[%arg1, %dma_start3A, %dma_start3A_19] : memref<16x250x40xi32, #tpu.memory_space<hbm>> -> memref<1x250x40xi32, #tpu.memory_space<hbm>>
      %dma_start3A_21 = tpu.memref_squeeze %dma_start3A_20 : memref<1x250x40xi32, #tpu.memory_space<hbm>> -> memref<250x40xi32, #tpu.memory_space<hbm>>
      %dma_start3A_22 = arith.constant 0 : i32
      %dma_start3A_23 = arith.constant 0 : i32
      %dma_start3A_24 = tpu.memref_slice %arg5[%arg1, %dma_start3A_22, %dma_start3A_23] : memref<16x250x40xi32, #tpu.memory_space<hbm>> -> memref<1x250x40xi32, #tpu.memory_space<hbm>>
      %dma_start3A_25 = tpu.memref_squeeze %dma_start3A_24 : memref<1x250x40xi32, #tpu.memory_space<hbm>> -> memref<250x40xi32, #tpu.memory_space<hbm>>
      tpu.enqueue_dma source(%dma_start3A_25 : memref<250x40xi32, #tpu.memory_space<hbm>>) target(%arg10 : memref<250x40xi32, #tpu.memory_space<vmem>>) target_semaphore(%run_scoped3A : memref<!tpu.dma_semaphore, #tpu.memory_space<semaphore_mem>>)
      %dma_wait3A = arith.constant 0 : i32
      %dma_wait3A_26 = arith.constant 0 : i32
      %dma_wait3A_27 = tpu.memref_slice %arg5[%arg1, %dma_wait3A, %dma_wait3A_26] : memref<16x250x40xi32, #tpu.memory_space<hbm>> -> memref<1x250x40xi32, #tpu.memory_space<hbm>>
      %dma_wait3A_28 = tpu.memref_squeeze %dma_wait3A_27 : memref<1x250x40xi32, #tpu.memory_space<hbm>> -> memref<250x40xi32, #tpu.memory_space<hbm>>
      %dma_wait3A_29 = arith.constant 0 : i32
      %dma_wait3A_30 = arith.constant 0 : i32
      %dma_wait3A_31 = tpu.memref_slice %arg5[%arg1, %dma_wait3A_29, %dma_wait3A_30] : memref<16x250x40xi32, #tpu.memory_space<hbm>> -> memref<1x250x40xi32, #tpu.memory_space<hbm>>
      %dma_wait3A_32 = tpu.memref_squeeze %dma_wait3A_31 : memref<1x250x40xi32, #tpu.memory_space<hbm>> -> memref<250x40xi32, #tpu.memory_space<hbm>>
      tpu.wait_dma2 semaphore(%run_scoped3A : memref<!tpu.dma_semaphore, #tpu.memory_space<semaphore_mem>>) src(%dma_wait3A_32 : memref<250x40xi32, #tpu.memory_space<hbm>>) dst(%arg10 : memref<250x40xi32, #tpu.memory_space<vmem>>)
      tpu.yield
    }) : () -> ()
    %barrier3A = arith.constant 0 : index
    tpu.barrier barrier_id(%barrier3A)
    %eq3A = arith.constant 0 : i32
    %eq3A_1 = arith.cmpi eq, %arg0, %eq3A : i32
    %convert_element_type3A = arith.extui %eq3A_1 : i1 to i32
    %cond3A = arith.constant 0 : i32
    %cond3A_2 = arith.cmpi ne, %convert_element_type3A, %cond3A : i32
    scf.if %cond3A_2 {
      %dma_start3A = arith.constant 0 : i32
      %dma_start3A_19 = arith.constant 0 : i32
      %dma_start3A_20 = tpu.memref_slice %arg9[%dma_start3A, %dma_start3A_19] : memref<250x40xi32, #tpu.memory_space<vmem>> -> memref<1x40xi32, #tpu.memory_space<vmem>>
      %dma_start3A_21 = tpu.memref_squeeze %dma_start3A_20 : memref<1x40xi32, #tpu.memory_space<vmem>> -> memref<40xi32, #tpu.memory_space<vmem>>
      %dma_start3A_22 = arith.constant 0 : i32
      %dma_start3A_23 = arith.constant 0 : i32
      %dma_start3A_24 = tpu.memref_slice %arg2[%dma_start3A_22, %dma_start3A_23] : memref<10000x152xf32, #tpu.memory_space<hbm>> -> memref<10000x152xf32, #tpu.memory_space<hbm>>
      tpu.enqueue_indirect_dma source(%dma_start3A_24 : memref<10000x152xf32, #tpu.memory_space<hbm>>) target(%arg11 : memref<40x152xf32, #tpu.memory_space<vmem>>) offsets(%dma_start3A_21 : memref<40xi32, #tpu.memory_space<vmem>>) semaphore(%arg14 : memref<!tpu.dma_semaphore, #tpu.memory_space<semaphore_mem>>)
      %scan3A = arith.constant 0 : i32
      %scan3A_25 = arith.constant 0 : i32
      %scan3A_26 = arith.constant 125 : i32
      %scan3A_27 = arith.addi %scan3A_25, %scan3A_26 : i32
      %scan3A_28 = arith.constant 1 : i32
      scf.for %scan3A_30 = %scan3A_25 to %scan3A_27 step %scan3A_28  : i32 {
        %mul3A_31 = arith.constant 2 : i32
        %mul3A_32 = arith.muli %scan3A_30, %mul3A_31 : i32
        %add3A = arith.constant 1 : i32
        %add3A_33 = arith.addi %mul3A_32, %add3A : i32
        %dma_start3A_34 = arith.constant 0 : i32
        %dma_start3A_35 = tpu.memref_slice %arg9[%add3A_33, %dma_start3A_34] : memref<250x40xi32, #tpu.memory_space<vmem>> -> memref<1x40xi32, #tpu.memory_space<vmem>>
        %dma_start3A_36 = tpu.memref_squeeze %dma_start3A_35 : memref<1x40xi32, #tpu.memory_space<vmem>> -> memref<40xi32, #tpu.memory_space<vmem>>
        %dma_start3A_37 = arith.constant 0 : i32
        %dma_start3A_38 = arith.constant 0 : i32
        %dma_start3A_39 = tpu.memref_slice %arg2[%dma_start3A_37, %dma_start3A_38] : memref<10000x152xf32, #tpu.memory_space<hbm>> -> memref<10000x152xf32, #tpu.memory_space<hbm>>
        tpu.enqueue_indirect_dma source(%dma_start3A_39 : memref<10000x152xf32, #tpu.memory_space<hbm>>) target(%arg12 : memref<40x152xf32, #tpu.memory_space<vmem>>) offsets(%dma_start3A_36 : memref<40xi32, #tpu.memory_space<vmem>>) semaphore(%arg15 : memref<!tpu.dma_semaphore, #tpu.memory_space<semaphore_mem>>)
        %dma_wait3A = arith.constant 0 : i32
        %dma_wait3A_40 = tpu.memref_slice %arg9[%mul3A_32, %dma_wait3A] : memref<250x40xi32, #tpu.memory_space<vmem>> -> memref<1x40xi32, #tpu.memory_space<vmem>>
        %dma_wait3A_41 = tpu.memref_squeeze %dma_wait3A_40 : memref<1x40xi32, #tpu.memory_space<vmem>> -> memref<40xi32, #tpu.memory_space<vmem>>
        %dma_wait3A_42 = arith.constant 0 : i32
        %dma_wait3A_43 = arith.constant 0 : i32
        %dma_wait3A_44 = tpu.memref_slice %arg2[%dma_wait3A_42, %dma_wait3A_43] : memref<10000x152xf32, #tpu.memory_space<hbm>> -> memref<10000x152xf32, #tpu.memory_space<hbm>>
        tpu.wait_indirect_dma semaphore(%arg14 : memref<!tpu.dma_semaphore, #tpu.memory_space<semaphore_mem>>) src(%dma_wait3A_44 : memref<10000x152xf32, #tpu.memory_space<hbm>>) dst(%arg11 : memref<40x152xf32, #tpu.memory_space<vmem>>)
        "tpu.region"() ({
          %run_scoped3A = tpu.sem_alloc : memref<!tpu.dma_semaphore, #tpu.memory_space<semaphore_mem>>
          %dma_start3A_61 = arith.constant 0 : i32
          %dma_start3A_62 = tpu.memref_slice %arg10[%mul3A_32, %dma_start3A_61] : memref<250x40xi32, #tpu.memory_space<vmem>> -> memref<1x40xi32, #tpu.memory_space<vmem>>
          %dma_start3A_63 = tpu.memref_squeeze %dma_start3A_62 : memref<1x40xi32, #tpu.memory_space<vmem>> -> memref<40xi32, #tpu.memory_space<vmem>>
          %dma_start3A_64 = arith.constant 0 : i32
          %dma_start3A_65 = arith.constant 0 : i32
          %dma_start3A_66 = tpu.memref_slice %arg13[%dma_start3A_64, %dma_start3A_65] : memref<10240x152xf32, #tpu.memory_space<vmem_shared>> -> memref<10240x152xf32, #tpu.memory_space<vmem_shared>>
          tpu.enqueue_indirect_dma source(%arg11 : memref<40x152xf32, #tpu.memory_space<vmem>>) target(%dma_start3A_66 : memref<10240x152xf32, #tpu.memory_space<vmem_shared>>) offsets(%dma_start3A_63 : memref<40xi32, #tpu.memory_space<vmem>>) semaphore(%run_scoped3A : memref<!tpu.dma_semaphore, #tpu.memory_space<semaphore_mem>>) {add = true}
          %dma_wait3A_67 = arith.constant 0 : i32
          %dma_wait3A_68 = tpu.memref_slice %arg10[%mul3A_32, %dma_wait3A_67] : memref<250x40xi32, #tpu.memory_space<vmem>> -> memref<1x40xi32, #tpu.memory_space<vmem>>
          %dma_wait3A_69 = tpu.memref_squeeze %dma_wait3A_68 : memref<1x40xi32, #tpu.memory_space<vmem>> -> memref<40xi32, #tpu.memory_space<vmem>>
          %dma_wait3A_70 = arith.constant 0 : i32
          %dma_wait3A_71 = arith.constant 0 : i32
          %dma_wait3A_72 = tpu.memref_slice %arg13[%dma_wait3A_70, %dma_wait3A_71] : memref<10240x152xf32, #tpu.memory_space<vmem_shared>> -> memref<10240x152xf32, #tpu.memory_space<vmem_shared>>
          tpu.wait_indirect_dma semaphore(%run_scoped3A : memref<!tpu.dma_semaphore, #tpu.memory_space<semaphore_mem>>) src(%arg11 : memref<40x152xf32, #tpu.memory_space<vmem>>) dst(%dma_wait3A_72 : memref<10240x152xf32, #tpu.memory_space<vmem_shared>>)
          tpu.yield
        }) : () -> ()
        %add3A_45 = arith.constant 1 : i32
        %add3A_46 = arith.addi %scan3A_30, %add3A_45 : i32
        %lt3A = arith.constant 125 : i32
        %lt3A_47 = arith.cmpi slt, %add3A_46, %lt3A : i32
        %convert_element_type3A_48 = arith.extui %lt3A_47 : i1 to i32
        %cond3A_49 = arith.constant 0 : i32
        %cond3A_50 = arith.cmpi ne, %convert_element_type3A_48, %cond3A_49 : i32
        scf.if %cond3A_50 {
          %add3A_61 = arith.constant 2 : i32
          %add3A_62 = arith.addi %mul3A_32, %add3A_61 : i32
          %dma_start3A_63 = arith.constant 0 : i32
          %dma_start3A_64 = tpu.memref_slice %arg9[%add3A_62, %dma_start3A_63] : memref<250x40xi32, #tpu.memory_space<vmem>> -> memref<1x40xi32, #tpu.memory_space<vmem>>
          %dma_start3A_65 = tpu.memref_squeeze %dma_start3A_64 : memref<1x40xi32, #tpu.memory_space<vmem>> -> memref<40xi32, #tpu.memory_space<vmem>>
          %dma_start3A_66 = arith.constant 0 : i32
          %dma_start3A_67 = arith.constant 0 : i32
          %dma_start3A_68 = tpu.memref_slice %arg2[%dma_start3A_66, %dma_start3A_67] : memref<10000x152xf32, #tpu.memory_space<hbm>> -> memref<10000x152xf32, #tpu.memory_space<hbm>>
          tpu.enqueue_indirect_dma source(%dma_start3A_68 : memref<10000x152xf32, #tpu.memory_space<hbm>>) target(%arg11 : memref<40x152xf32, #tpu.memory_space<vmem>>) offsets(%dma_start3A_65 : memref<40xi32, #tpu.memory_space<vmem>>) semaphore(%arg14 : memref<!tpu.dma_semaphore, #tpu.memory_space<semaphore_mem>>)
        } else {
        }
        %add3A_51 = arith.constant 1 : i32
        %add3A_52 = arith.addi %mul3A_32, %add3A_51 : i32
        %dma_wait3A_53 = arith.constant 0 : i32
        %dma_wait3A_54 = tpu.memref_slice %arg9[%add3A_52, %dma_wait3A_53] : memref<250x40xi32, #tpu.memory_space<vmem>> -> memref<1x40xi32, #tpu.memory_space<vmem>>
        %dma_wait3A_55 = tpu.memref_squeeze %dma_wait3A_54 : memref<1x40xi32, #tpu.memory_space<vmem>> -> memref<40xi32, #tpu.memory_space<vmem>>
        %dma_wait3A_56 = arith.constant 0 : i32
        %dma_wait3A_57 = arith.constant 0 : i32
        %dma_wait3A_58 = tpu.memref_slice %arg2[%dma_wait3A_56, %dma_wait3A_57] : memref<10000x152xf32, #tpu.memory_space<hbm>> -> memref<10000x152xf32, #tpu.memory_space<hbm>>
        tpu.wait_indirect_dma semaphore(%arg15 : memref<!tpu.dma_semaphore, #tpu.memory_space<semaphore_mem>>) src(%dma_wait3A_58 : memref<10000x152xf32, #tpu.memory_space<hbm>>) dst(%arg12 : memref<40x152xf32, #tpu.memory_space<vmem>>)
        %add3A_59 = arith.constant 1 : i32
        %add3A_60 = arith.addi %mul3A_32, %add3A_59 : i32
        "tpu.region"() ({
          %run_scoped3A = tpu.sem_alloc : memref<!tpu.dma_semaphore, #tpu.memory_space<semaphore_mem>>
          %dma_start3A_61 = arith.constant 0 : i32
          %dma_start3A_62 = tpu.memref_slice %arg10[%add3A_60, %dma_start3A_61] : memref<250x40xi32, #tpu.memory_space<vmem>> -> memref<1x40xi32, #tpu.memory_space<vmem>>
          %dma_start3A_63 = tpu.memref_squeeze %dma_start3A_62 : memref<1x40xi32, #tpu.memory_space<vmem>> -> memref<40xi32, #tpu.memory_space<vmem>>
          %dma_start3A_64 = arith.constant 0 : i32
          %dma_start3A_65 = arith.constant 0 : i32
          %dma_start3A_66 = tpu.memref_slice %arg13[%dma_start3A_64, %dma_start3A_65] : memref<10240x152xf32, #tpu.memory_space<vmem_shared>> -> memref<10240x152xf32, #tpu.memory_space<vmem_shared>>
          tpu.enqueue_indirect_dma source(%arg12 : memref<40x152xf32, #tpu.memory_space<vmem>>) target(%dma_start3A_66 : memref<10240x152xf32, #tpu.memory_space<vmem_shared>>) offsets(%dma_start3A_63 : memref<40xi32, #tpu.memory_space<vmem>>) semaphore(%run_scoped3A : memref<!tpu.dma_semaphore, #tpu.memory_space<semaphore_mem>>) {add = true}
          %dma_wait3A_67 = arith.constant 0 : i32
          %dma_wait3A_68 = tpu.memref_slice %arg10[%add3A_60, %dma_wait3A_67] : memref<250x40xi32, #tpu.memory_space<vmem>> -> memref<1x40xi32, #tpu.memory_space<vmem>>
          %dma_wait3A_69 = tpu.memref_squeeze %dma_wait3A_68 : memref<1x40xi32, #tpu.memory_space<vmem>> -> memref<40xi32, #tpu.memory_space<vmem>>
          %dma_wait3A_70 = arith.constant 0 : i32
          %dma_wait3A_71 = arith.constant 0 : i32
          %dma_wait3A_72 = tpu.memref_slice %arg13[%dma_wait3A_70, %dma_wait3A_71] : memref<10240x152xf32, #tpu.memory_space<vmem_shared>> -> memref<10240x152xf32, #tpu.memory_space<vmem_shared>>
          tpu.wait_indirect_dma semaphore(%run_scoped3A : memref<!tpu.dma_semaphore, #tpu.memory_space<semaphore_mem>>) src(%arg12 : memref<40x152xf32, #tpu.memory_space<vmem>>) dst(%dma_wait3A_72 : memref<10240x152xf32, #tpu.memory_space<vmem_shared>>)
          tpu.yield
        }) : () -> ()
      }
      %scan3A_29 = arith.constant 125 : i32
    } else {
    }
    %eq3A_3 = arith.constant 1 : i32
    %eq3A_4 = arith.cmpi eq, %arg0, %eq3A_3 : i32
    %convert_element_type3A_5 = arith.extui %eq3A_4 : i1 to i32
    %cond3A_6 = arith.constant 0 : i32
    %cond3A_7 = arith.cmpi ne, %convert_element_type3A_5, %cond3A_6 : i32
    scf.if %cond3A_7 {
      %dma_start3A = arith.constant 0 : i32
      %dma_start3A_19 = arith.constant 0 : i32
      %dma_start3A_20 = tpu.memref_slice %arg9[%dma_start3A, %dma_start3A_19] : memref<250x40xi32, #tpu.memory_space<vmem>> -> memref<1x40xi32, #tpu.memory_space<vmem>>
      %dma_start3A_21 = tpu.memref_squeeze %dma_start3A_20 : memref<1x40xi32, #tpu.memory_space<vmem>> -> memref<40xi32, #tpu.memory_space<vmem>>
      %dma_start3A_22 = arith.constant 0 : i32
      %dma_start3A_23 = arith.constant 0 : i32
      %dma_start3A_24 = tpu.memref_slice %arg3[%dma_start3A_22, %dma_start3A_23] : memref<10000x152xf32, #tpu.memory_space<hbm>> -> memref<10000x152xf32, #tpu.memory_space<hbm>>
      tpu.enqueue_indirect_dma source(%dma_start3A_24 : memref<10000x152xf32, #tpu.memory_space<hbm>>) target(%arg11 : memref<40x152xf32, #tpu.memory_space<vmem>>) offsets(%dma_start3A_21 : memref<40xi32, #tpu.memory_space<vmem>>) semaphore(%arg14 : memref<!tpu.dma_semaphore, #tpu.memory_space<semaphore_mem>>)
      %scan3A = arith.constant 0 : i32
      %scan3A_25 = arith.constant 0 : i32
      %scan3A_26 = arith.constant 125 : i32
      %scan3A_27 = arith.addi %scan3A_25, %scan3A_26 : i32
      %scan3A_28 = arith.constant 1 : i32
      scf.for %scan3A_30 = %scan3A_25 to %scan3A_27 step %scan3A_28  : i32 {
        %mul3A_31 = arith.constant 2 : i32
        %mul3A_32 = arith.muli %scan3A_30, %mul3A_31 : i32
        %add3A = arith.constant 1 : i32
        %add3A_33 = arith.addi %mul3A_32, %add3A : i32
        %dma_start3A_34 = arith.constant 0 : i32
        %dma_start3A_35 = tpu.memref_slice %arg9[%add3A_33, %dma_start3A_34] : memref<250x40xi32, #tpu.memory_space<vmem>> -> memref<1x40xi32, #tpu.memory_space<vmem>>
        %dma_start3A_36 = tpu.memref_squeeze %dma_start3A_35 : memref<1x40xi32, #tpu.memory_space<vmem>> -> memref<40xi32, #tpu.memory_space<vmem>>
        %dma_start3A_37 = arith.constant 0 : i32
        %dma_start3A_38 = arith.constant 0 : i32
        %dma_start3A_39 = tpu.memref_slice %arg3[%dma_start3A_37, %dma_start3A_38] : memref<10000x152xf32, #tpu.memory_space<hbm>> -> memref<10000x152xf32, #tpu.memory_space<hbm>>
        tpu.enqueue_indirect_dma source(%dma_start3A_39 : memref<10000x152xf32, #tpu.memory_space<hbm>>) target(%arg12 : memref<40x152xf32, #tpu.memory_space<vmem>>) offsets(%dma_start3A_36 : memref<40xi32, #tpu.memory_space<vmem>>) semaphore(%arg15 : memref<!tpu.dma_semaphore, #tpu.memory_space<semaphore_mem>>)
        %dma_wait3A = arith.constant 0 : i32
        %dma_wait3A_40 = tpu.memref_slice %arg9[%mul3A_32, %dma_wait3A] : memref<250x40xi32, #tpu.memory_space<vmem>> -> memref<1x40xi32, #tpu.memory_space<vmem>>
        %dma_wait3A_41 = tpu.memref_squeeze %dma_wait3A_40 : memref<1x40xi32, #tpu.memory_space<vmem>> -> memref<40xi32, #tpu.memory_space<vmem>>
        %dma_wait3A_42 = arith.constant 0 : i32
        %dma_wait3A_43 = arith.constant 0 : i32
        %dma_wait3A_44 = tpu.memref_slice %arg3[%dma_wait3A_42, %dma_wait3A_43] : memref<10000x152xf32, #tpu.memory_space<hbm>> -> memref<10000x152xf32, #tpu.memory_space<hbm>>
        tpu.wait_indirect_dma semaphore(%arg14 : memref<!tpu.dma_semaphore, #tpu.memory_space<semaphore_mem>>) src(%dma_wait3A_44 : memref<10000x152xf32, #tpu.memory_space<hbm>>) dst(%arg11 : memref<40x152xf32, #tpu.memory_space<vmem>>)
        "tpu.region"() ({
          %run_scoped3A = tpu.sem_alloc : memref<!tpu.dma_semaphore, #tpu.memory_space<semaphore_mem>>
          %dma_start3A_61 = arith.constant 0 : i32
          %dma_start3A_62 = tpu.memref_slice %arg10[%mul3A_32, %dma_start3A_61] : memref<250x40xi32, #tpu.memory_space<vmem>> -> memref<1x40xi32, #tpu.memory_space<vmem>>
          %dma_start3A_63 = tpu.memref_squeeze %dma_start3A_62 : memref<1x40xi32, #tpu.memory_space<vmem>> -> memref<40xi32, #tpu.memory_space<vmem>>
          %dma_start3A_64 = arith.constant 0 : i32
          %dma_start3A_65 = arith.constant 0 : i32
          %dma_start3A_66 = tpu.memref_slice %arg13[%dma_start3A_64, %dma_start3A_65] : memref<10240x152xf32, #tpu.memory_space<vmem_shared>> -> memref<10240x152xf32, #tpu.memory_space<vmem_shared>>
          tpu.enqueue_indirect_dma source(%arg11 : memref<40x152xf32, #tpu.memory_space<vmem>>) target(%dma_start3A_66 : memref<10240x152xf32, #tpu.memory_space<vmem_shared>>) offsets(%dma_start3A_63 : memref<40xi32, #tpu.memory_space<vmem>>) semaphore(%run_scoped3A : memref<!tpu.dma_semaphore, #tpu.memory_space<semaphore_mem>>) {add = true}
          %dma_wait3A_67 = arith.constant 0 : i32
          %dma_wait3A_68 = tpu.memref_slice %arg10[%mul3A_32, %dma_wait3A_67] : memref<250x40xi32, #tpu.memory_space<vmem>> -> memref<1x40xi32, #tpu.memory_space<vmem>>
          %dma_wait3A_69 = tpu.memref_squeeze %dma_wait3A_68 : memref<1x40xi32, #tpu.memory_space<vmem>> -> memref<40xi32, #tpu.memory_space<vmem>>
          %dma_wait3A_70 = arith.constant 0 : i32
          %dma_wait3A_71 = arith.constant 0 : i32
          %dma_wait3A_72 = tpu.memref_slice %arg13[%dma_wait3A_70, %dma_wait3A_71] : memref<10240x152xf32, #tpu.memory_space<vmem_shared>> -> memref<10240x152xf32, #tpu.memory_space<vmem_shared>>
          tpu.wait_indirect_dma semaphore(%run_scoped3A : memref<!tpu.dma_semaphore, #tpu.memory_space<semaphore_mem>>) src(%arg11 : memref<40x152xf32, #tpu.memory_space<vmem>>) dst(%dma_wait3A_72 : memref<10240x152xf32, #tpu.memory_space<vmem_shared>>)
          tpu.yield
        }) : () -> ()
        %add3A_45 = arith.constant 1 : i32
        %add3A_46 = arith.addi %scan3A_30, %add3A_45 : i32
        %lt3A = arith.constant 125 : i32
        %lt3A_47 = arith.cmpi slt, %add3A_46, %lt3A : i32
        %convert_element_type3A_48 = arith.extui %lt3A_47 : i1 to i32
        %cond3A_49 = arith.constant 0 : i32
        %cond3A_50 = arith.cmpi ne, %convert_element_type3A_48, %cond3A_49 : i32
        scf.if %cond3A_50 {
          %add3A_61 = arith.constant 2 : i32
          %add3A_62 = arith.addi %mul3A_32, %add3A_61 : i32
          %dma_start3A_63 = arith.constant 0 : i32
          %dma_start3A_64 = tpu.memref_slice %arg9[%add3A_62, %dma_start3A_63] : memref<250x40xi32, #tpu.memory_space<vmem>> -> memref<1x40xi32, #tpu.memory_space<vmem>>
          %dma_start3A_65 = tpu.memref_squeeze %dma_start3A_64 : memref<1x40xi32, #tpu.memory_space<vmem>> -> memref<40xi32, #tpu.memory_space<vmem>>
          %dma_start3A_66 = arith.constant 0 : i32
          %dma_start3A_67 = arith.constant 0 : i32
          %dma_start3A_68 = tpu.memref_slice %arg3[%dma_start3A_66, %dma_start3A_67] : memref<10000x152xf32, #tpu.memory_space<hbm>> -> memref<10000x152xf32, #tpu.memory_space<hbm>>
          tpu.enqueue_indirect_dma source(%dma_start3A_68 : memref<10000x152xf32, #tpu.memory_space<hbm>>) target(%arg11 : memref<40x152xf32, #tpu.memory_space<vmem>>) offsets(%dma_start3A_65 : memref<40xi32, #tpu.memory_space<vmem>>) semaphore(%arg14 : memref<!tpu.dma_semaphore, #tpu.memory_space<semaphore_mem>>)
        } else {
        }
        %add3A_51 = arith.constant 1 : i32
        %add3A_52 = arith.addi %mul3A_32, %add3A_51 : i32
        %dma_wait3A_53 = arith.constant 0 : i32
        %dma_wait3A_54 = tpu.memref_slice %arg9[%add3A_52, %dma_wait3A_53] : memref<250x40xi32, #tpu.memory_space<vmem>> -> memref<1x40xi32, #tpu.memory_space<vmem>>
        %dma_wait3A_55 = tpu.memref_squeeze %dma_wait3A_54 : memref<1x40xi32, #tpu.memory_space<vmem>> -> memref<40xi32, #tpu.memory_space<vmem>>
        %dma_wait3A_56 = arith.constant 0 : i32
        %dma_wait3A_57 = arith.constant 0 : i32
        %dma_wait3A_58 = tpu.memref_slice %arg3[%dma_wait3A_56, %dma_wait3A_57] : memref<10000x152xf32, #tpu.memory_space<hbm>> -> memref<10000x152xf32, #tpu.memory_space<hbm>>
        tpu.wait_indirect_dma semaphore(%arg15 : memref<!tpu.dma_semaphore, #tpu.memory_space<semaphore_mem>>) src(%dma_wait3A_58 : memref<10000x152xf32, #tpu.memory_space<hbm>>) dst(%arg12 : memref<40x152xf32, #tpu.memory_space<vmem>>)
        %add3A_59 = arith.constant 1 : i32
        %add3A_60 = arith.addi %mul3A_32, %add3A_59 : i32
        "tpu.region"() ({
          %run_scoped3A = tpu.sem_alloc : memref<!tpu.dma_semaphore, #tpu.memory_space<semaphore_mem>>
          %dma_start3A_61 = arith.constant 0 : i32
          %dma_start3A_62 = tpu.memref_slice %arg10[%add3A_60, %dma_start3A_61] : memref<250x40xi32, #tpu.memory_space<vmem>> -> memref<1x40xi32, #tpu.memory_space<vmem>>
          %dma_start3A_63 = tpu.memref_squeeze %dma_start3A_62 : memref<1x40xi32, #tpu.memory_space<vmem>> -> memref<40xi32, #tpu.memory_space<vmem>>
          %dma_start3A_64 = arith.constant 0 : i32
          %dma_start3A_65 = arith.constant 0 : i32
          %dma_start3A_66 = tpu.memref_slice %arg13[%dma_start3A_64, %dma_start3A_65] : memref<10240x152xf32, #tpu.memory_space<vmem_shared>> -> memref<10240x152xf32, #tpu.memory_space<vmem_shared>>
          tpu.enqueue_indirect_dma source(%arg12 : memref<40x152xf32, #tpu.memory_space<vmem>>) target(%dma_start3A_66 : memref<10240x152xf32, #tpu.memory_space<vmem_shared>>) offsets(%dma_start3A_63 : memref<40xi32, #tpu.memory_space<vmem>>) semaphore(%run_scoped3A : memref<!tpu.dma_semaphore, #tpu.memory_space<semaphore_mem>>) {add = true}
          %dma_wait3A_67 = arith.constant 0 : i32
          %dma_wait3A_68 = tpu.memref_slice %arg10[%add3A_60, %dma_wait3A_67] : memref<250x40xi32, #tpu.memory_space<vmem>> -> memref<1x40xi32, #tpu.memory_space<vmem>>
          %dma_wait3A_69 = tpu.memref_squeeze %dma_wait3A_68 : memref<1x40xi32, #tpu.memory_space<vmem>> -> memref<40xi32, #tpu.memory_space<vmem>>
          %dma_wait3A_70 = arith.constant 0 : i32
          %dma_wait3A_71 = arith.constant 0 : i32
          %dma_wait3A_72 = tpu.memref_slice %arg13[%dma_wait3A_70, %dma_wait3A_71] : memref<10240x152xf32, #tpu.memory_space<vmem_shared>> -> memref<10240x152xf32, #tpu.memory_space<vmem_shared>>
          tpu.wait_indirect_dma semaphore(%run_scoped3A : memref<!tpu.dma_semaphore, #tpu.memory_space<semaphore_mem>>) src(%arg12 : memref<40x152xf32, #tpu.memory_space<vmem>>) dst(%dma_wait3A_72 : memref<10240x152xf32, #tpu.memory_space<vmem_shared>>)
          tpu.yield
        }) : () -> ()
      }
      %scan3A_29 = arith.constant 125 : i32
    } else {
    }
    %barrier3A_8 = arith.constant 0 : index
    tpu.barrier barrier_id(%barrier3A_8)
    %eq3A_9 = arith.constant 0 : i32
    %eq3A_10 = arith.cmpi eq, %arg0, %eq3A_9 : i32
    %convert_element_type3A_11 = arith.extui %eq3A_10 : i1 to i32
    %cond3A_12 = arith.constant 0 : i32
    %cond3A_13 = arith.cmpi ne, %convert_element_type3A_11, %cond3A_12 : i32
    scf.if %cond3A_13 {
      "tpu.region"() ({
        %run_scoped3A = tpu.sem_alloc : memref<!tpu.dma_semaphore, #tpu.memory_space<semaphore_mem>>
        %dma_start3A = arith.constant 0 : i32
        %dma_start3A_19 = tpu.memref_slice %arg7[%multiple_of3A, %dma_start3A] : memref<10240x152xf32, #tpu.memory_space<hbm>> -> memref<640x152xf32, #tpu.memory_space<hbm>>
        %dma_start3A_20 = arith.constant 0 : i32
        %dma_start3A_21 = tpu.memref_slice %arg13[%multiple_of3A, %dma_start3A_20] : memref<10240x152xf32, #tpu.memory_space<vmem_shared>> -> memref<640x152xf32, #tpu.memory_space<vmem_shared>>
        tpu.enqueue_dma source(%dma_start3A_21 : memref<640x152xf32, #tpu.memory_space<vmem_shared>>) target(%dma_start3A_19 : memref<640x152xf32, #tpu.memory_space<hbm>>) target_semaphore(%run_scoped3A : memref<!tpu.dma_semaphore, #tpu.memory_space<semaphore_mem>>)
        %dma_wait3A = arith.constant 0 : i32
        %dma_wait3A_22 = tpu.memref_slice %arg7[%multiple_of3A, %dma_wait3A] : memref<10240x152xf32, #tpu.memory_space<hbm>> -> memref<640x152xf32, #tpu.memory_space<hbm>>
        %dma_wait3A_23 = arith.constant 0 : i32
        %dma_wait3A_24 = tpu.memref_slice %arg13[%multiple_of3A, %dma_wait3A_23] : memref<10240x152xf32, #tpu.memory_space<vmem_shared>> -> memref<640x152xf32, #tpu.memory_space<vmem_shared>>
        tpu.wait_dma2 semaphore(%run_scoped3A : memref<!tpu.dma_semaphore, #tpu.memory_space<semaphore_mem>>) src(%dma_wait3A_24 : memref<640x152xf32, #tpu.memory_space<vmem_shared>>) dst(%dma_wait3A_22 : memref<640x152xf32, #tpu.memory_space<hbm>>)
        tpu.yield
      }) : () -> ()
    } else {
    }
    %eq3A_14 = arith.constant 1 : i32
    %eq3A_15 = arith.cmpi eq, %arg0, %eq3A_14 : i32
    %convert_element_type3A_16 = arith.extui %eq3A_15 : i1 to i32
    %cond3A_17 = arith.constant 0 : i32
    %cond3A_18 = arith.cmpi ne, %convert_element_type3A_16, %cond3A_17 : i32
    scf.if %cond3A_18 {
      "tpu.region"() ({
        %run_scoped3A = tpu.sem_alloc : memref<!tpu.dma_semaphore, #tpu.memory_space<semaphore_mem>>
        %dma_start3A = arith.constant 0 : i32
        %dma_start3A_19 = tpu.memref_slice %arg8[%multiple_of3A, %dma_start3A] : memref<10240x152xf32, #tpu.memory_space<hbm>> -> memref<640x152xf32, #tpu.memory_space<hbm>>
        %dma_start3A_20 = arith.constant 0 : i32
        %dma_start3A_21 = tpu.memref_slice %arg13[%multiple_of3A, %dma_start3A_20] : memref<10240x152xf32, #tpu.memory_space<vmem_shared>> -> memref<640x152xf32, #tpu.memory_space<vmem_shared>>
        tpu.enqueue_dma source(%dma_start3A_21 : memref<640x152xf32, #tpu.memory_space<vmem_shared>>) target(%dma_start3A_19 : memref<640x152xf32, #tpu.memory_space<hbm>>) target_semaphore(%run_scoped3A : memref<!tpu.dma_semaphore, #tpu.memory_space<semaphore_mem>>)
        %dma_wait3A = arith.constant 0 : i32
        %dma_wait3A_22 = tpu.memref_slice %arg8[%multiple_of3A, %dma_wait3A] : memref<10240x152xf32, #tpu.memory_space<hbm>> -> memref<640x152xf32, #tpu.memory_space<hbm>>
        %dma_wait3A_23 = arith.constant 0 : i32
        %dma_wait3A_24 = tpu.memref_slice %arg13[%multiple_of3A, %dma_wait3A_23] : memref<10240x152xf32, #tpu.memory_space<vmem_shared>> -> memref<640x152xf32, #tpu.memory_space<vmem_shared>>
        tpu.wait_dma2 semaphore(%run_scoped3A : memref<!tpu.dma_semaphore, #tpu.memory_space<semaphore_mem>>) src(%dma_wait3A_24 : memref<640x152xf32, #tpu.memory_space<vmem_shared>>) dst(%dma_wait3A_22 : memref<640x152xf32, #tpu.memory_space<hbm>>)
        tpu.yield
      }) : () -> ()
    } else {
    }
    return
  }
}

#map = affine_map<(d0, d1) -> (0, 0)>
#map1 = affine_map<(d0, d1) -> (0, 0, 0)>
module attributes {stable_mosaic.version = 14 : i64} {
  func.func @_sc_body(%arg0: i32, %arg1: i32, %arg2: memref<10000x152xf32, #tpu.memory_space<hbm>>, %arg3: memref<10000x152xf32, #tpu.memory_space<hbm>>, %arg4: memref<16x250x40xi32, #tpu.memory_space<hbm>>, %arg5: memref<16x250x40xi32, #tpu.memory_space<hbm>>, %arg6: memref<640x152xf32, #tpu.memory_space<hbm>>, %arg7: memref<10240x152xf32, #tpu.memory_space<hbm>>, %arg8: memref<10240x152xf32, #tpu.memory_space<hbm>>, %arg9: memref<250x40xi32, #tpu.memory_space<vmem>>, %arg10: memref<250x40xi32, #tpu.memory_space<vmem>>, %arg11: memref<40x152xf32, #tpu.memory_space<vmem>>, %arg12: memref<40x152xf32, #tpu.memory_space<vmem>>, %arg13: memref<10240x152xf32, #tpu.memory_space<vmem_shared>>, %arg14: memref<!tpu.dma_semaphore, #tpu.memory_space<semaphore_mem>>, %arg15: memref<!tpu.dma_semaphore, #tpu.memory_space<semaphore_mem>>) attributes {dimension_semantics = [#tpu.dimension_semantics<core_parallel>, #tpu.dimension_semantics<subcore_parallel>], iteration_bounds = array<i64: 2, 16>, scalar_prefetch = 0 : i64, scratch_operands = 7 : i64, tpu.core_type = #tpu.core_type<sc_vector_subcore>, window_params = [{transform_indices = #map}, {transform_indices = #map}, {transform_indices = #map1}, {transform_indices = #map1}, {transform_indices = #map}, {transform_indices = #map}, {transform_indices = #map}]} {
    %mul3A = arith.constant 640 : i32
    %mul3A_0 = arith.muli %arg1, %mul3A : i32
    %multiple_of3A = tpu.assume_multiple %mul3A_0, 640 : i32
    "tpu.region"() ({
      %run_scoped3A = tpu.sem_alloc : memref<!tpu.dma_semaphore, #tpu.memory_space<semaphore_mem>>
      %dma_start3A = arith.constant 0 : i32
      %dma_start3A_19 = tpu.memref_slice %arg13[%multiple_of3A, %dma_start3A] : memref<10240x152xf32, #tpu.memory_space<vmem_shared>> -> memref<640x152xf32, #tpu.memory_space<vmem_shared>>
      tpu.enqueue_dma source(%arg6 : memref<640x152xf32, #tpu.memory_space<hbm>>) target(%dma_start3A_19 : memref<640x152xf32, #tpu.memory_space<vmem_shared>>) target_semaphore(%run_scoped3A : memref<!tpu.dma_semaphore, #tpu.memory_space<semaphore_mem>>)
      %dma_wait3A = arith.constant 0 : i32
      %dma_wait3A_20 = tpu.memref_slice %arg13[%multiple_of3A, %dma_wait3A] : memref<10240x152xf32, #tpu.memory_space<vmem_shared>> -> memref<640x152xf32, #tpu.memory_space<vmem_shared>>
      tpu.wait_dma2 semaphore(%run_scoped3A : memref<!tpu.dma_semaphore, #tpu.memory_space<semaphore_mem>>) src(%arg6 : memref<640x152xf32, #tpu.memory_space<hbm>>) dst(%dma_wait3A_20 : memref<640x152xf32, #tpu.memory_space<vmem_shared>>)
      tpu.yield
    }) : () -> ()
    "tpu.region"() ({
      %run_scoped3A = tpu.sem_alloc : memref<!tpu.dma_semaphore, #tpu.memory_space<semaphore_mem>>
      %dma_start3A = arith.constant 0 : i32
      %dma_start3A_19 = arith.constant 0 : i32
      %dma_start3A_20 = tpu.memref_slice %arg4[%arg1, %dma_start3A, %dma_start3A_19] : memref<16x250x40xi32, #tpu.memory_space<hbm>> -> memref<1x250x40xi32, #tpu.memory_space<hbm>>
      %dma_start3A_21 = tpu.memref_squeeze %dma_start3A_20 : memref<1x250x40xi32, #tpu.memory_space<hbm>> -> memref<250x40xi32, #tpu.memory_space<hbm>>
      %dma_start3A_22 = arith.constant 0 : i32
      %dma_start3A_23 = arith.constant 0 : i32
      %dma_start3A_24 = tpu.memref_slice %arg4[%arg1, %dma_start3A_22, %dma_start3A_23] : memref<16x250x40xi32, #tpu.memory_space<hbm>> -> memref<1x250x40xi32, #tpu.memory_space<hbm>>
      %dma_start3A_25 = tpu.memref_squeeze %dma_start3A_24 : memref<1x250x40xi32, #tpu.memory_space<hbm>> -> memref<250x40xi32, #tpu.memory_space<hbm>>
      tpu.enqueue_dma source(%dma_start3A_25 : memref<250x40xi32, #tpu.memory_space<hbm>>) target(%arg9 : memref<250x40xi32, #tpu.memory_space<vmem>>) target_semaphore(%run_scoped3A : memref<!tpu.dma_semaphore, #tpu.memory_space<semaphore_mem>>)
      %dma_wait3A = arith.constant 0 : i32
      %dma_wait3A_26 = arith.constant 0 : i32
      %dma_wait3A_27 = tpu.memref_slice %arg4[%arg1, %dma_wait3A, %dma_wait3A_26] : memref<16x250x40xi32, #tpu.memory_space<hbm>> -> memref<1x250x40xi32, #tpu.memory_space<hbm>>
      %dma_wait3A_28 = tpu.memref_squeeze %dma_wait3A_27 : memref<1x250x40xi32, #tpu.memory_space<hbm>> -> memref<250x40xi32, #tpu.memory_space<hbm>>
      %dma_wait3A_29 = arith.constant 0 : i32
      %dma_wait3A_30 = arith.constant 0 : i32
      %dma_wait3A_31 = tpu.memref_slice %arg4[%arg1, %dma_wait3A_29, %dma_wait3A_30] : memref<16x250x40xi32, #tpu.memory_space<hbm>> -> memref<1x250x40xi32, #tpu.memory_space<hbm>>
      %dma_wait3A_32 = tpu.memref_squeeze %dma_wait3A_31 : memref<1x250x40xi32, #tpu.memory_space<hbm>> -> memref<250x40xi32, #tpu.memory_space<hbm>>
      tpu.wait_dma2 semaphore(%run_scoped3A : memref<!tpu.dma_semaphore, #tpu.memory_space<semaphore_mem>>) src(%dma_wait3A_32 : memref<250x40xi32, #tpu.memory_space<hbm>>) dst(%arg9 : memref<250x40xi32, #tpu.memory_space<vmem>>)
      tpu.yield
    }) : () -> ()
    "tpu.region"() ({
      %run_scoped3A = tpu.sem_alloc : memref<!tpu.dma_semaphore, #tpu.memory_space<semaphore_mem>>
      %dma_start3A = arith.constant 0 : i32
      %dma_start3A_19 = arith.constant 0 : i32
      %dma_start3A_20 = tpu.memref_slice %arg5[%arg1, %dma_start3A, %dma_start3A_19] : memref<16x250x40xi32, #tpu.memory_space<hbm>> -> memref<1x250x40xi32, #tpu.memory_space<hbm>>
      %dma_start3A_21 = tpu.memref_squeeze %dma_start3A_20 : memref<1x250x40xi32, #tpu.memory_space<hbm>> -> memref<250x40xi32, #tpu.memory_space<hbm>>
      %dma_start3A_22 = arith.constant 0 : i32
      %dma_start3A_23 = arith.constant 0 : i32
      %dma_start3A_24 = tpu.memref_slice %arg5[%arg1, %dma_start3A_22, %dma_start3A_23] : memref<16x250x40xi32, #tpu.memory_space<hbm>> -> memref<1x250x40xi32, #tpu.memory_space<hbm>>
      %dma_start3A_25 = tpu.memref_squeeze %dma_start3A_24 : memref<1x250x40xi32, #tpu.memory_space<hbm>> -> memref<250x40xi32, #tpu.memory_space<hbm>>
      tpu.enqueue_dma source(%dma_start3A_25 : memref<250x40xi32, #tpu.memory_space<hbm>>) target(%arg10 : memref<250x40xi32, #tpu.memory_space<vmem>>) target_semaphore(%run_scoped3A : memref<!tpu.dma_semaphore, #tpu.memory_space<semaphore_mem>>)
      %dma_wait3A = arith.constant 0 : i32
      %dma_wait3A_26 = arith.constant 0 : i32
      %dma_wait3A_27 = tpu.memref_slice %arg5[%arg1, %dma_wait3A, %dma_wait3A_26] : memref<16x250x40xi32, #tpu.memory_space<hbm>> -> memref<1x250x40xi32, #tpu.memory_space<hbm>>
      %dma_wait3A_28 = tpu.memref_squeeze %dma_wait3A_27 : memref<1x250x40xi32, #tpu.memory_space<hbm>> -> memref<250x40xi32, #tpu.memory_space<hbm>>
      %dma_wait3A_29 = arith.constant 0 : i32
      %dma_wait3A_30 = arith.constant 0 : i32
      %dma_wait3A_31 = tpu.memref_slice %arg5[%arg1, %dma_wait3A_29, %dma_wait3A_30] : memref<16x250x40xi32, #tpu.memory_space<hbm>> -> memref<1x250x40xi32, #tpu.memory_space<hbm>>
      %dma_wait3A_32 = tpu.memref_squeeze %dma_wait3A_31 : memref<1x250x40xi32, #tpu.memory_space<hbm>> -> memref<250x40xi32, #tpu.memory_space<hbm>>
      tpu.wait_dma2 semaphore(%run_scoped3A : memref<!tpu.dma_semaphore, #tpu.memory_space<semaphore_mem>>) src(%dma_wait3A_32 : memref<250x40xi32, #tpu.memory_space<hbm>>) dst(%arg10 : memref<250x40xi32, #tpu.memory_space<vmem>>)
      tpu.yield
    }) : () -> ()
    %barrier3A = arith.constant 0 : index
    tpu.barrier barrier_id(%barrier3A)
    %eq3A = arith.constant 0 : i32
    %eq3A_1 = arith.cmpi eq, %arg0, %eq3A : i32
    %convert_element_type3A = arith.extui %eq3A_1 : i1 to i32
    %cond3A = arith.constant 0 : i32
    %cond3A_2 = arith.cmpi ne, %convert_element_type3A, %cond3A : i32
    scf.if %cond3A_2 {
      %dma_start3A = arith.constant 0 : i32
      %dma_start3A_19 = arith.constant 0 : i32
      %dma_start3A_20 = tpu.memref_slice %arg9[%dma_start3A, %dma_start3A_19] : memref<250x40xi32, #tpu.memory_space<vmem>> -> memref<1x40xi32, #tpu.memory_space<vmem>>
      %dma_start3A_21 = tpu.memref_squeeze %dma_start3A_20 : memref<1x40xi32, #tpu.memory_space<vmem>> -> memref<40xi32, #tpu.memory_space<vmem>>
      %dma_start3A_22 = arith.constant 0 : i32
      %dma_start3A_23 = arith.constant 0 : i32
      %dma_start3A_24 = tpu.memref_slice %arg2[%dma_start3A_22, %dma_start3A_23] : memref<10000x152xf32, #tpu.memory_space<hbm>> -> memref<10000x152xf32, #tpu.memory_space<hbm>>
      tpu.enqueue_indirect_dma source(%dma_start3A_24 : memref<10000x152xf32, #tpu.memory_space<hbm>>) target(%arg11 : memref<40x152xf32, #tpu.memory_space<vmem>>) offsets(%dma_start3A_21 : memref<40xi32, #tpu.memory_space<vmem>>) semaphore(%arg14 : memref<!tpu.dma_semaphore, #tpu.memory_space<semaphore_mem>>)
      %scan3A = arith.constant 0 : i32
      %scan3A_25 = arith.constant 0 : i32
      %scan3A_26 = arith.constant 125 : i32
      %scan3A_27 = arith.addi %scan3A_25, %scan3A_26 : i32
      %scan3A_28 = arith.constant 1 : i32
      scf.for %scan3A_30 = %scan3A_25 to %scan3A_27 step %scan3A_28  : i32 {
        %mul3A_31 = arith.constant 2 : i32
        %mul3A_32 = arith.muli %scan3A_30, %mul3A_31 : i32
        %add3A = arith.constant 1 : i32
        %add3A_33 = arith.addi %mul3A_32, %add3A : i32
        %dma_start3A_34 = arith.constant 0 : i32
        %dma_start3A_35 = tpu.memref_slice %arg9[%add3A_33, %dma_start3A_34] : memref<250x40xi32, #tpu.memory_space<vmem>> -> memref<1x40xi32, #tpu.memory_space<vmem>>
        %dma_start3A_36 = tpu.memref_squeeze %dma_start3A_35 : memref<1x40xi32, #tpu.memory_space<vmem>> -> memref<40xi32, #tpu.memory_space<vmem>>
        %dma_start3A_37 = arith.constant 0 : i32
        %dma_start3A_38 = arith.constant 0 : i32
        %dma_start3A_39 = tpu.memref_slice %arg2[%dma_start3A_37, %dma_start3A_38] : memref<10000x152xf32, #tpu.memory_space<hbm>> -> memref<10000x152xf32, #tpu.memory_space<hbm>>
        tpu.enqueue_indirect_dma source(%dma_start3A_39 : memref<10000x152xf32, #tpu.memory_space<hbm>>) target(%arg12 : memref<40x152xf32, #tpu.memory_space<vmem>>) offsets(%dma_start3A_36 : memref<40xi32, #tpu.memory_space<vmem>>) semaphore(%arg15 : memref<!tpu.dma_semaphore, #tpu.memory_space<semaphore_mem>>)
        %dma_wait3A = arith.constant 0 : i32
        %dma_wait3A_40 = tpu.memref_slice %arg9[%mul3A_32, %dma_wait3A] : memref<250x40xi32, #tpu.memory_space<vmem>> -> memref<1x40xi32, #tpu.memory_space<vmem>>
        %dma_wait3A_41 = tpu.memref_squeeze %dma_wait3A_40 : memref<1x40xi32, #tpu.memory_space<vmem>> -> memref<40xi32, #tpu.memory_space<vmem>>
        %dma_wait3A_42 = arith.constant 0 : i32
        %dma_wait3A_43 = arith.constant 0 : i32
        %dma_wait3A_44 = tpu.memref_slice %arg2[%dma_wait3A_42, %dma_wait3A_43] : memref<10000x152xf32, #tpu.memory_space<hbm>> -> memref<10000x152xf32, #tpu.memory_space<hbm>>
        tpu.wait_indirect_dma semaphore(%arg14 : memref<!tpu.dma_semaphore, #tpu.memory_space<semaphore_mem>>) src(%dma_wait3A_44 : memref<10000x152xf32, #tpu.memory_space<hbm>>) dst(%arg11 : memref<40x152xf32, #tpu.memory_space<vmem>>)
        "tpu.region"() ({
          %run_scoped3A = tpu.sem_alloc : memref<!tpu.dma_semaphore, #tpu.memory_space<semaphore_mem>>
          %dma_start3A_61 = arith.constant 0 : i32
          %dma_start3A_62 = tpu.memref_slice %arg10[%mul3A_32, %dma_start3A_61] : memref<250x40xi32, #tpu.memory_space<vmem>> -> memref<1x40xi32, #tpu.memory_space<vmem>>
          %dma_start3A_63 = tpu.memref_squeeze %dma_start3A_62 : memref<1x40xi32, #tpu.memory_space<vmem>> -> memref<40xi32, #tpu.memory_space<vmem>>
          %dma_start3A_64 = arith.constant 0 : i32
          %dma_start3A_65 = arith.constant 0 : i32
          %dma_start3A_66 = tpu.memref_slice %arg13[%dma_start3A_64, %dma_start3A_65] : memref<10240x152xf32, #tpu.memory_space<vmem_shared>> -> memref<10240x152xf32, #tpu.memory_space<vmem_shared>>
          tpu.enqueue_indirect_dma source(%arg11 : memref<40x152xf32, #tpu.memory_space<vmem>>) target(%dma_start3A_66 : memref<10240x152xf32, #tpu.memory_space<vmem_shared>>) offsets(%dma_start3A_63 : memref<40xi32, #tpu.memory_space<vmem>>) semaphore(%run_scoped3A : memref<!tpu.dma_semaphore, #tpu.memory_space<semaphore_mem>>) {add = true}
          %dma_wait3A_67 = arith.constant 0 : i32
          %dma_wait3A_68 = tpu.memref_slice %arg10[%mul3A_32, %dma_wait3A_67] : memref<250x40xi32, #tpu.memory_space<vmem>> -> memref<1x40xi32, #tpu.memory_space<vmem>>
          %dma_wait3A_69 = tpu.memref_squeeze %dma_wait3A_68 : memref<1x40xi32, #tpu.memory_space<vmem>> -> memref<40xi32, #tpu.memory_space<vmem>>
          %dma_wait3A_70 = arith.constant 0 : i32
          %dma_wait3A_71 = arith.constant 0 : i32
          %dma_wait3A_72 = tpu.memref_slice %arg13[%dma_wait3A_70, %dma_wait3A_71] : memref<10240x152xf32, #tpu.memory_space<vmem_shared>> -> memref<10240x152xf32, #tpu.memory_space<vmem_shared>>
          tpu.wait_indirect_dma semaphore(%run_scoped3A : memref<!tpu.dma_semaphore, #tpu.memory_space<semaphore_mem>>) src(%arg11 : memref<40x152xf32, #tpu.memory_space<vmem>>) dst(%dma_wait3A_72 : memref<10240x152xf32, #tpu.memory_space<vmem_shared>>)
          tpu.yield
        }) : () -> ()
        %add3A_45 = arith.constant 1 : i32
        %add3A_46 = arith.addi %scan3A_30, %add3A_45 : i32
        %lt3A = arith.constant 125 : i32
        %lt3A_47 = arith.cmpi slt, %add3A_46, %lt3A : i32
        %convert_element_type3A_48 = arith.extui %lt3A_47 : i1 to i32
        %cond3A_49 = arith.constant 0 : i32
        %cond3A_50 = arith.cmpi ne, %convert_element_type3A_48, %cond3A_49 : i32
        scf.if %cond3A_50 {
          %add3A_61 = arith.constant 2 : i32
          %add3A_62 = arith.addi %mul3A_32, %add3A_61 : i32
          %dma_start3A_63 = arith.constant 0 : i32
          %dma_start3A_64 = tpu.memref_slice %arg9[%add3A_62, %dma_start3A_63] : memref<250x40xi32, #tpu.memory_space<vmem>> -> memref<1x40xi32, #tpu.memory_space<vmem>>
          %dma_start3A_65 = tpu.memref_squeeze %dma_start3A_64 : memref<1x40xi32, #tpu.memory_space<vmem>> -> memref<40xi32, #tpu.memory_space<vmem>>
          %dma_start3A_66 = arith.constant 0 : i32
          %dma_start3A_67 = arith.constant 0 : i32
          %dma_start3A_68 = tpu.memref_slice %arg2[%dma_start3A_66, %dma_start3A_67] : memref<10000x152xf32, #tpu.memory_space<hbm>> -> memref<10000x152xf32, #tpu.memory_space<hbm>>
          tpu.enqueue_indirect_dma source(%dma_start3A_68 : memref<10000x152xf32, #tpu.memory_space<hbm>>) target(%arg11 : memref<40x152xf32, #tpu.memory_space<vmem>>) offsets(%dma_start3A_65 : memref<40xi32, #tpu.memory_space<vmem>>) semaphore(%arg14 : memref<!tpu.dma_semaphore, #tpu.memory_space<semaphore_mem>>)
        } else {
        }
        %add3A_51 = arith.constant 1 : i32
        %add3A_52 = arith.addi %mul3A_32, %add3A_51 : i32
        %dma_wait3A_53 = arith.constant 0 : i32
        %dma_wait3A_54 = tpu.memref_slice %arg9[%add3A_52, %dma_wait3A_53] : memref<250x40xi32, #tpu.memory_space<vmem>> -> memref<1x40xi32, #tpu.memory_space<vmem>>
        %dma_wait3A_55 = tpu.memref_squeeze %dma_wait3A_54 : memref<1x40xi32, #tpu.memory_space<vmem>> -> memref<40xi32, #tpu.memory_space<vmem>>
        %dma_wait3A_56 = arith.constant 0 : i32
        %dma_wait3A_57 = arith.constant 0 : i32
        %dma_wait3A_58 = tpu.memref_slice %arg2[%dma_wait3A_56, %dma_wait3A_57] : memref<10000x152xf32, #tpu.memory_space<hbm>> -> memref<10000x152xf32, #tpu.memory_space<hbm>>
        tpu.wait_indirect_dma semaphore(%arg15 : memref<!tpu.dma_semaphore, #tpu.memory_space<semaphore_mem>>) src(%dma_wait3A_58 : memref<10000x152xf32, #tpu.memory_space<hbm>>) dst(%arg12 : memref<40x152xf32, #tpu.memory_space<vmem>>)
        %add3A_59 = arith.constant 1 : i32
        %add3A_60 = arith.addi %mul3A_32, %add3A_59 : i32
        "tpu.region"() ({
          %run_scoped3A = tpu.sem_alloc : memref<!tpu.dma_semaphore, #tpu.memory_space<semaphore_mem>>
          %dma_start3A_61 = arith.constant 0 : i32
          %dma_start3A_62 = tpu.memref_slice %arg10[%add3A_60, %dma_start3A_61] : memref<250x40xi32, #tpu.memory_space<vmem>> -> memref<1x40xi32, #tpu.memory_space<vmem>>
          %dma_start3A_63 = tpu.memref_squeeze %dma_start3A_62 : memref<1x40xi32, #tpu.memory_space<vmem>> -> memref<40xi32, #tpu.memory_space<vmem>>
          %dma_start3A_64 = arith.constant 0 : i32
          %dma_start3A_65 = arith.constant 0 : i32
          %dma_start3A_66 = tpu.memref_slice %arg13[%dma_start3A_64, %dma_start3A_65] : memref<10240x152xf32, #tpu.memory_space<vmem_shared>> -> memref<10240x152xf32, #tpu.memory_space<vmem_shared>>
          tpu.enqueue_indirect_dma source(%arg12 : memref<40x152xf32, #tpu.memory_space<vmem>>) target(%dma_start3A_66 : memref<10240x152xf32, #tpu.memory_space<vmem_shared>>) offsets(%dma_start3A_63 : memref<40xi32, #tpu.memory_space<vmem>>) semaphore(%run_scoped3A : memref<!tpu.dma_semaphore, #tpu.memory_space<semaphore_mem>>) {add = true}
          %dma_wait3A_67 = arith.constant 0 : i32
          %dma_wait3A_68 = tpu.memref_slice %arg10[%add3A_60, %dma_wait3A_67] : memref<250x40xi32, #tpu.memory_space<vmem>> -> memref<1x40xi32, #tpu.memory_space<vmem>>
          %dma_wait3A_69 = tpu.memref_squeeze %dma_wait3A_68 : memref<1x40xi32, #tpu.memory_space<vmem>> -> memref<40xi32, #tpu.memory_space<vmem>>
          %dma_wait3A_70 = arith.constant 0 : i32
          %dma_wait3A_71 = arith.constant 0 : i32
          %dma_wait3A_72 = tpu.memref_slice %arg13[%dma_wait3A_70, %dma_wait3A_71] : memref<10240x152xf32, #tpu.memory_space<vmem_shared>> -> memref<10240x152xf32, #tpu.memory_space<vmem_shared>>
          tpu.wait_indirect_dma semaphore(%run_scoped3A : memref<!tpu.dma_semaphore, #tpu.memory_space<semaphore_mem>>) src(%arg12 : memref<40x152xf32, #tpu.memory_space<vmem>>) dst(%dma_wait3A_72 : memref<10240x152xf32, #tpu.memory_space<vmem_shared>>)
          tpu.yield
        }) : () -> ()
      }
      %scan3A_29 = arith.constant 125 : i32
    } else {
    }
    %eq3A_3 = arith.constant 1 : i32
    %eq3A_4 = arith.cmpi eq, %arg0, %eq3A_3 : i32
    %convert_element_type3A_5 = arith.extui %eq3A_4 : i1 to i32
    %cond3A_6 = arith.constant 0 : i32
    %cond3A_7 = arith.cmpi ne, %convert_element_type3A_5, %cond3A_6 : i32
    scf.if %cond3A_7 {
      %dma_start3A = arith.constant 0 : i32
      %dma_start3A_19 = arith.constant 0 : i32
      %dma_start3A_20 = tpu.memref_slice %arg9[%dma_start3A, %dma_start3A_19] : memref<250x40xi32, #tpu.memory_space<vmem>> -> memref<1x40xi32, #tpu.memory_space<vmem>>
      %dma_start3A_21 = tpu.memref_squeeze %dma_start3A_20 : memref<1x40xi32, #tpu.memory_space<vmem>> -> memref<40xi32, #tpu.memory_space<vmem>>
      %dma_start3A_22 = arith.constant 0 : i32
      %dma_start3A_23 = arith.constant 0 : i32
      %dma_start3A_24 = tpu.memref_slice %arg3[%dma_start3A_22, %dma_start3A_23] : memref<10000x152xf32, #tpu.memory_space<hbm>> -> memref<10000x152xf32, #tpu.memory_space<hbm>>
      tpu.enqueue_indirect_dma source(%dma_start3A_24 : memref<10000x152xf32, #tpu.memory_space<hbm>>) target(%arg11 : memref<40x152xf32, #tpu.memory_space<vmem>>) offsets(%dma_start3A_21 : memref<40xi32, #tpu.memory_space<vmem>>) semaphore(%arg14 : memref<!tpu.dma_semaphore, #tpu.memory_space<semaphore_mem>>)
      %scan3A = arith.constant 0 : i32
      %scan3A_25 = arith.constant 0 : i32
      %scan3A_26 = arith.constant 125 : i32
      %scan3A_27 = arith.addi %scan3A_25, %scan3A_26 : i32
      %scan3A_28 = arith.constant 1 : i32
      scf.for %scan3A_30 = %scan3A_25 to %scan3A_27 step %scan3A_28  : i32 {
        %mul3A_31 = arith.constant 2 : i32
        %mul3A_32 = arith.muli %scan3A_30, %mul3A_31 : i32
        %add3A = arith.constant 1 : i32
        %add3A_33 = arith.addi %mul3A_32, %add3A : i32
        %dma_start3A_34 = arith.constant 0 : i32
        %dma_start3A_35 = tpu.memref_slice %arg9[%add3A_33, %dma_start3A_34] : memref<250x40xi32, #tpu.memory_space<vmem>> -> memref<1x40xi32, #tpu.memory_space<vmem>>
        %dma_start3A_36 = tpu.memref_squeeze %dma_start3A_35 : memref<1x40xi32, #tpu.memory_space<vmem>> -> memref<40xi32, #tpu.memory_space<vmem>>
        %dma_start3A_37 = arith.constant 0 : i32
        %dma_start3A_38 = arith.constant 0 : i32
        %dma_start3A_39 = tpu.memref_slice %arg3[%dma_start3A_37, %dma_start3A_38] : memref<10000x152xf32, #tpu.memory_space<hbm>> -> memref<10000x152xf32, #tpu.memory_space<hbm>>
        tpu.enqueue_indirect_dma source(%dma_start3A_39 : memref<10000x152xf32, #tpu.memory_space<hbm>>) target(%arg12 : memref<40x152xf32, #tpu.memory_space<vmem>>) offsets(%dma_start3A_36 : memref<40xi32, #tpu.memory_space<vmem>>) semaphore(%arg15 : memref<!tpu.dma_semaphore, #tpu.memory_space<semaphore_mem>>)
        %dma_wait3A = arith.constant 0 : i32
        %dma_wait3A_40 = tpu.memref_slice %arg9[%mul3A_32, %dma_wait3A] : memref<250x40xi32, #tpu.memory_space<vmem>> -> memref<1x40xi32, #tpu.memory_space<vmem>>
        %dma_wait3A_41 = tpu.memref_squeeze %dma_wait3A_40 : memref<1x40xi32, #tpu.memory_space<vmem>> -> memref<40xi32, #tpu.memory_space<vmem>>
        %dma_wait3A_42 = arith.constant 0 : i32
        %dma_wait3A_43 = arith.constant 0 : i32
        %dma_wait3A_44 = tpu.memref_slice %arg3[%dma_wait3A_42, %dma_wait3A_43] : memref<10000x152xf32, #tpu.memory_space<hbm>> -> memref<10000x152xf32, #tpu.memory_space<hbm>>
        tpu.wait_indirect_dma semaphore(%arg14 : memref<!tpu.dma_semaphore, #tpu.memory_space<semaphore_mem>>) src(%dma_wait3A_44 : memref<10000x152xf32, #tpu.memory_space<hbm>>) dst(%arg11 : memref<40x152xf32, #tpu.memory_space<vmem>>)
        "tpu.region"() ({
          %run_scoped3A = tpu.sem_alloc : memref<!tpu.dma_semaphore, #tpu.memory_space<semaphore_mem>>
          %dma_start3A_61 = arith.constant 0 : i32
          %dma_start3A_62 = tpu.memref_slice %arg10[%mul3A_32, %dma_start3A_61] : memref<250x40xi32, #tpu.memory_space<vmem>> -> memref<1x40xi32, #tpu.memory_space<vmem>>
          %dma_start3A_63 = tpu.memref_squeeze %dma_start3A_62 : memref<1x40xi32, #tpu.memory_space<vmem>> -> memref<40xi32, #tpu.memory_space<vmem>>
          %dma_start3A_64 = arith.constant 0 : i32
          %dma_start3A_65 = arith.constant 0 : i32
          %dma_start3A_66 = tpu.memref_slice %arg13[%dma_start3A_64, %dma_start3A_65] : memref<10240x152xf32, #tpu.memory_space<vmem_shared>> -> memref<10240x152xf32, #tpu.memory_space<vmem_shared>>
          tpu.enqueue_indirect_dma source(%arg11 : memref<40x152xf32, #tpu.memory_space<vmem>>) target(%dma_start3A_66 : memref<10240x152xf32, #tpu.memory_space<vmem_shared>>) offsets(%dma_start3A_63 : memref<40xi32, #tpu.memory_space<vmem>>) semaphore(%run_scoped3A : memref<!tpu.dma_semaphore, #tpu.memory_space<semaphore_mem>>) {add = true}
          %dma_wait3A_67 = arith.constant 0 : i32
          %dma_wait3A_68 = tpu.memref_slice %arg10[%mul3A_32, %dma_wait3A_67] : memref<250x40xi32, #tpu.memory_space<vmem>> -> memref<1x40xi32, #tpu.memory_space<vmem>>
          %dma_wait3A_69 = tpu.memref_squeeze %dma_wait3A_68 : memref<1x40xi32, #tpu.memory_space<vmem>> -> memref<40xi32, #tpu.memory_space<vmem>>
          %dma_wait3A_70 = arith.constant 0 : i32
          %dma_wait3A_71 = arith.constant 0 : i32
          %dma_wait3A_72 = tpu.memref_slice %arg13[%dma_wait3A_70, %dma_wait3A_71] : memref<10240x152xf32, #tpu.memory_space<vmem_shared>> -> memref<10240x152xf32, #tpu.memory_space<vmem_shared>>
          tpu.wait_indirect_dma semaphore(%run_scoped3A : memref<!tpu.dma_semaphore, #tpu.memory_space<semaphore_mem>>) src(%arg11 : memref<40x152xf32, #tpu.memory_space<vmem>>) dst(%dma_wait3A_72 : memref<10240x152xf32, #tpu.memory_space<vmem_shared>>)
          tpu.yield
        }) : () -> ()
        %add3A_45 = arith.constant 1 : i32
        %add3A_46 = arith.addi %scan3A_30, %add3A_45 : i32
        %lt3A = arith.constant 125 : i32
        %lt3A_47 = arith.cmpi slt, %add3A_46, %lt3A : i32
        %convert_element_type3A_48 = arith.extui %lt3A_47 : i1 to i32
        %cond3A_49 = arith.constant 0 : i32
        %cond3A_50 = arith.cmpi ne, %convert_element_type3A_48, %cond3A_49 : i32
        scf.if %cond3A_50 {
          %add3A_61 = arith.constant 2 : i32
          %add3A_62 = arith.addi %mul3A_32, %add3A_61 : i32
          %dma_start3A_63 = arith.constant 0 : i32
          %dma_start3A_64 = tpu.memref_slice %arg9[%add3A_62, %dma_start3A_63] : memref<250x40xi32, #tpu.memory_space<vmem>> -> memref<1x40xi32, #tpu.memory_space<vmem>>
          %dma_start3A_65 = tpu.memref_squeeze %dma_start3A_64 : memref<1x40xi32, #tpu.memory_space<vmem>> -> memref<40xi32, #tpu.memory_space<vmem>>
          %dma_start3A_66 = arith.constant 0 : i32
          %dma_start3A_67 = arith.constant 0 : i32
          %dma_start3A_68 = tpu.memref_slice %arg3[%dma_start3A_66, %dma_start3A_67] : memref<10000x152xf32, #tpu.memory_space<hbm>> -> memref<10000x152xf32, #tpu.memory_space<hbm>>
          tpu.enqueue_indirect_dma source(%dma_start3A_68 : memref<10000x152xf32, #tpu.memory_space<hbm>>) target(%arg11 : memref<40x152xf32, #tpu.memory_space<vmem>>) offsets(%dma_start3A_65 : memref<40xi32, #tpu.memory_space<vmem>>) semaphore(%arg14 : memref<!tpu.dma_semaphore, #tpu.memory_space<semaphore_mem>>)
        } else {
        }
        %add3A_51 = arith.constant 1 : i32
        %add3A_52 = arith.addi %mul3A_32, %add3A_51 : i32
        %dma_wait3A_53 = arith.constant 0 : i32
        %dma_wait3A_54 = tpu.memref_slice %arg9[%add3A_52, %dma_wait3A_53] : memref<250x40xi32, #tpu.memory_space<vmem>> -> memref<1x40xi32, #tpu.memory_space<vmem>>
        %dma_wait3A_55 = tpu.memref_squeeze %dma_wait3A_54 : memref<1x40xi32, #tpu.memory_space<vmem>> -> memref<40xi32, #tpu.memory_space<vmem>>
        %dma_wait3A_56 = arith.constant 0 : i32
        %dma_wait3A_57 = arith.constant 0 : i32
        %dma_wait3A_58 = tpu.memref_slice %arg3[%dma_wait3A_56, %dma_wait3A_57] : memref<10000x152xf32, #tpu.memory_space<hbm>> -> memref<10000x152xf32, #tpu.memory_space<hbm>>
        tpu.wait_indirect_dma semaphore(%arg15 : memref<!tpu.dma_semaphore, #tpu.memory_space<semaphore_mem>>) src(%dma_wait3A_58 : memref<10000x152xf32, #tpu.memory_space<hbm>>) dst(%arg12 : memref<40x152xf32, #tpu.memory_space<vmem>>)
        %add3A_59 = arith.constant 1 : i32
        %add3A_60 = arith.addi %mul3A_32, %add3A_59 : i32
        "tpu.region"() ({
          %run_scoped3A = tpu.sem_alloc : memref<!tpu.dma_semaphore, #tpu.memory_space<semaphore_mem>>
          %dma_start3A_61 = arith.constant 0 : i32
          %dma_start3A_62 = tpu.memref_slice %arg10[%add3A_60, %dma_start3A_61] : memref<250x40xi32, #tpu.memory_space<vmem>> -> memref<1x40xi32, #tpu.memory_space<vmem>>
          %dma_start3A_63 = tpu.memref_squeeze %dma_start3A_62 : memref<1x40xi32, #tpu.memory_space<vmem>> -> memref<40xi32, #tpu.memory_space<vmem>>
          %dma_start3A_64 = arith.constant 0 : i32
          %dma_start3A_65 = arith.constant 0 : i32
          %dma_start3A_66 = tpu.memref_slice %arg13[%dma_start3A_64, %dma_start3A_65] : memref<10240x152xf32, #tpu.memory_space<vmem_shared>> -> memref<10240x152xf32, #tpu.memory_space<vmem_shared>>
          tpu.enqueue_indirect_dma source(%arg12 : memref<40x152xf32, #tpu.memory_space<vmem>>) target(%dma_start3A_66 : memref<10240x152xf32, #tpu.memory_space<vmem_shared>>) offsets(%dma_start3A_63 : memref<40xi32, #tpu.memory_space<vmem>>) semaphore(%run_scoped3A : memref<!tpu.dma_semaphore, #tpu.memory_space<semaphore_mem>>) {add = true}
          %dma_wait3A_67 = arith.constant 0 : i32
          %dma_wait3A_68 = tpu.memref_slice %arg10[%add3A_60, %dma_wait3A_67] : memref<250x40xi32, #tpu.memory_space<vmem>> -> memref<1x40xi32, #tpu.memory_space<vmem>>
          %dma_wait3A_69 = tpu.memref_squeeze %dma_wait3A_68 : memref<1x40xi32, #tpu.memory_space<vmem>> -> memref<40xi32, #tpu.memory_space<vmem>>
          %dma_wait3A_70 = arith.constant 0 : i32
          %dma_wait3A_71 = arith.constant 0 : i32
          %dma_wait3A_72 = tpu.memref_slice %arg13[%dma_wait3A_70, %dma_wait3A_71] : memref<10240x152xf32, #tpu.memory_space<vmem_shared>> -> memref<10240x152xf32, #tpu.memory_space<vmem_shared>>
          tpu.wait_indirect_dma semaphore(%run_scoped3A : memref<!tpu.dma_semaphore, #tpu.memory_space<semaphore_mem>>) src(%arg12 : memref<40x152xf32, #tpu.memory_space<vmem>>) dst(%dma_wait3A_72 : memref<10240x152xf32, #tpu.memory_space<vmem_shared>>)
          tpu.yield
        }) : () -> ()
      }
      %scan3A_29 = arith.constant 125 : i32
    } else {
    }
    %barrier3A_8 = arith.constant 0 : index
    tpu.barrier barrier_id(%barrier3A_8)
    %eq3A_9 = arith.constant 0 : i32
    %eq3A_10 = arith.cmpi eq, %arg0, %eq3A_9 : i32
    %convert_element_type3A_11 = arith.extui %eq3A_10 : i1 to i32
    %cond3A_12 = arith.constant 0 : i32
    %cond3A_13 = arith.cmpi ne, %convert_element_type3A_11, %cond3A_12 : i32
    scf.if %cond3A_13 {
      "tpu.region"() ({
        %run_scoped3A = tpu.sem_alloc : memref<!tpu.dma_semaphore, #tpu.memory_space<semaphore_mem>>
        %dma_start3A = arith.constant 0 : i32
        %dma_start3A_19 = tpu.memref_slice %arg7[%multiple_of3A, %dma_start3A] : memref<10240x152xf32, #tpu.memory_space<hbm>> -> memref<640x152xf32, #tpu.memory_space<hbm>>
        %dma_start3A_20 = arith.constant 0 : i32
        %dma_start3A_21 = tpu.memref_slice %arg13[%multiple_of3A, %dma_start3A_20] : memref<10240x152xf32, #tpu.memory_space<vmem_shared>> -> memref<640x152xf32, #tpu.memory_space<vmem_shared>>
        tpu.enqueue_dma source(%dma_start3A_21 : memref<640x152xf32, #tpu.memory_space<vmem_shared>>) target(%dma_start3A_19 : memref<640x152xf32, #tpu.memory_space<hbm>>) target_semaphore(%run_scoped3A : memref<!tpu.dma_semaphore, #tpu.memory_space<semaphore_mem>>)
        %dma_wait3A = arith.constant 0 : i32
        %dma_wait3A_22 = tpu.memref_slice %arg7[%multiple_of3A, %dma_wait3A] : memref<10240x152xf32, #tpu.memory_space<hbm>> -> memref<640x152xf32, #tpu.memory_space<hbm>>
        %dma_wait3A_23 = arith.constant 0 : i32
        %dma_wait3A_24 = tpu.memref_slice %arg13[%multiple_of3A, %dma_wait3A_23] : memref<10240x152xf32, #tpu.memory_space<vmem_shared>> -> memref<640x152xf32, #tpu.memory_space<vmem_shared>>
        tpu.wait_dma2 semaphore(%run_scoped3A : memref<!tpu.dma_semaphore, #tpu.memory_space<semaphore_mem>>) src(%dma_wait3A_24 : memref<640x152xf32, #tpu.memory_space<vmem_shared>>) dst(%dma_wait3A_22 : memref<640x152xf32, #tpu.memory_space<hbm>>)
        tpu.yield
      }) : () -> ()
    } else {
    }
    %eq3A_14 = arith.constant 1 : i32
    %eq3A_15 = arith.cmpi eq, %arg0, %eq3A_14 : i32
    %convert_element_type3A_16 = arith.extui %eq3A_15 : i1 to i32
    %cond3A_17 = arith.constant 0 : i32
    %cond3A_18 = arith.cmpi ne, %convert_element_type3A_16, %cond3A_17 : i32
    scf.if %cond3A_18 {
      "tpu.region"() ({
        %run_scoped3A = tpu.sem_alloc : memref<!tpu.dma_semaphore, #tpu.memory_space<semaphore_mem>>
        %dma_start3A = arith.constant 0 : i32
        %dma_start3A_19 = tpu.memref_slice %arg8[%multiple_of3A, %dma_start3A] : memref<10240x152xf32, #tpu.memory_space<hbm>> -> memref<640x152xf32, #tpu.memory_space<hbm>>
        %dma_start3A_20 = arith.constant 0 : i32
        %dma_start3A_21 = tpu.memref_slice %arg13[%multiple_of3A, %dma_start3A_20] : memref<10240x152xf32, #tpu.memory_space<vmem_shared>> -> memref<640x152xf32, #tpu.memory_space<vmem_shared>>
        tpu.enqueue_dma source(%dma_start3A_21 : memref<640x152xf32, #tpu.memory_space<vmem_shared>>) target(%dma_start3A_19 : memref<640x152xf32, #tpu.memory_space<hbm>>) target_semaphore(%run_scoped3A : memref<!tpu.dma_semaphore, #tpu.memory_space<semaphore_mem>>)
        %dma_wait3A = arith.constant 0 : i32
        %dma_wait3A_22 = tpu.memref_slice %arg8[%multiple_of3A, %dma_wait3A] : memref<10240x152xf32, #tpu.memory_space<hbm>> -> memref<640x152xf32, #tpu.memory_space<hbm>>
        %dma_wait3A_23 = arith.constant 0 : i32
        %dma_wait3A_24 = tpu.memref_slice %arg13[%multiple_of3A, %dma_wait3A_23] : memref<10240x152xf32, #tpu.memory_space<vmem_shared>> -> memref<640x152xf32, #tpu.memory_space<vmem_shared>>
        tpu.wait_dma2 semaphore(%run_scoped3A : memref<!tpu.dma_semaphore, #tpu.memory_space<semaphore_mem>>) src(%dma_wait3A_24 : memref<640x152xf32, #tpu.memory_space<vmem_shared>>) dst(%dma_wait3A_22 : memref<640x152xf32, #tpu.memory_space<hbm>>)
        tpu.yield
      }) : () -> ()
    } else {
    }
    return
  }
}

module attributes {stable_mosaic.version = 14 : i64} {
  func.func @_tc_lift_body(%arg0: i32, %arg1: memref<2000x119xf32, #tpu.memory_space<vmem>>, %arg2: memref<119x300xf32, #tpu.memory_space<vmem>>, %arg3: memref<1x300xf32, #tpu.memory_space<vmem>>, %arg4: memref<300x152xf32, #tpu.memory_space<vmem>>, %arg5: memref<1x152xf32, #tpu.memory_space<vmem>>, %arg6: memref<300x152xf32, #tpu.memory_space<vmem>>, %arg7: memref<1x152xf32, #tpu.memory_space<vmem>>, %arg8: memref<2000x152xf32, #tpu.memory_space<vmem>>, %arg9: memref<2000x152xf32, #tpu.memory_space<vmem>>) attributes {dimension_semantics = [#tpu.dimension_semantics<arbitrary>], iteration_bounds = array<i64: 5>, scalar_prefetch = 0 : i64, scratch_operands = 0 : i64, tpu.core_type = #tpu.core_type<tc>, window_params = [{transform_indices = @transform_0, window_bounds = array<i64: 2000, 119>}, {pipeline_mode = #tpu.pipeline_mode<synchronous>, transform_indices = @transform_1, window_bounds = array<i64: 119, 300>}, {pipeline_mode = #tpu.pipeline_mode<synchronous>, transform_indices = @transform_2, window_bounds = array<i64: 1, 300>}, {pipeline_mode = #tpu.pipeline_mode<synchronous>, transform_indices = @transform_3, window_bounds = array<i64: 300, 152>}, {pipeline_mode = #tpu.pipeline_mode<synchronous>, transform_indices = @transform_4, window_bounds = array<i64: 1, 152>}, {pipeline_mode = #tpu.pipeline_mode<synchronous>, transform_indices = @transform_5, window_bounds = array<i64: 300, 152>}, {pipeline_mode = #tpu.pipeline_mode<synchronous>, transform_indices = @transform_6, window_bounds = array<i64: 1, 152>}, {transform_indices = @transform_7, window_bounds = array<i64: 2000, 152>}, {transform_indices = @transform_8, window_bounds = array<i64: 2000, 152>}]} {
    %get3A = arith.constant 0 : index
    %get3A_0 = arith.constant 0 : index
    %get3A_1 = vector.load %arg1[%get3A, %get3A_0] : memref<2000x119xf32, #tpu.memory_space<vmem>>, vector<2000x119xf32>
    %get3A_2 = arith.constant 0 : index
    %get3A_3 = arith.constant 0 : index
    %get3A_4 = vector.load %arg2[%get3A_2, %get3A_3] : memref<119x300xf32, #tpu.memory_space<vmem>>, vector<119x300xf32>
    %dot_general3A = arith.constant dense<0.000000e+00> : vector<2000x300xf32>
    %dot_general3A_5 = tpu.matmul %get3A_1, %get3A_4, %dot_general3A {dimension_numbers = #tpu.dot_dimension_numbers<[1], [0], [0], [1], [0, 0, 1, 1], [], []>, transpose_lhs_hint = false} : vector<2000x119xf32>, vector<119x300xf32>, vector<2000x300xf32> -> vector<2000x300xf32>
    %get3A_6 = arith.constant 0 : index
    %get3A_7 = arith.constant 0 : index
    %get3A_8 = vector.load %arg3[%get3A_6, %get3A_7] : memref<1x300xf32, #tpu.memory_space<vmem>>, vector<1x300xf32>
    %add3A = vector.broadcast %get3A_8 : vector<1x300xf32> to vector<2000x300xf32>
    %add3A_9 = arith.addf %dot_general3A_5, %add3A : vector<2000x300xf32>
    %get3A_10 = arith.constant 0 : index
    %get3A_11 = arith.constant 0 : index
    %get3A_12 = vector.load %arg4[%get3A_10, %get3A_11] : memref<300x152xf32, #tpu.memory_space<vmem>>, vector<300x152xf32>
    %dot_general3A_13 = arith.constant dense<0.000000e+00> : vector<2000x152xf32>
    %dot_general3A_14 = tpu.matmul %add3A_9, %get3A_12, %dot_general3A_13 {dimension_numbers = #tpu.dot_dimension_numbers<[1], [0], [0], [1], [0, 0, 1, 1], [], []>, transpose_lhs_hint = false} : vector<2000x300xf32>, vector<300x152xf32>, vector<2000x152xf32> -> vector<2000x152xf32>
    %get3A_15 = arith.constant 0 : index
    %get3A_16 = arith.constant 0 : index
    %get3A_17 = vector.load %arg5[%get3A_15, %get3A_16] : memref<1x152xf32, #tpu.memory_space<vmem>>, vector<1x152xf32>
    %add3A_18 = vector.broadcast %get3A_17 : vector<1x152xf32> to vector<2000x152xf32>
    %add3A_19 = arith.addf %dot_general3A_14, %add3A_18 : vector<2000x152xf32>
    %max3A = arith.constant 0.000000e+00 : f32
    %max3A_20 = vector.broadcast %max3A : f32 to vector<2000x152xf32>
    %max3A_21 = arith.maximumf %add3A_19, %max3A_20 : vector<2000x152xf32>
    %swap3A = arith.constant 0 : index
    %swap3A_22 = arith.constant 0 : index
    %swap3A_23 = vector.load %arg8[%swap3A, %swap3A_22] : memref<2000x152xf32, #tpu.memory_space<vmem>>, vector<2000x152xf32>
    tpu.vector_store %arg8[%swap3A, %swap3A_22], %max3A_21 {strides = array<i32>} : memref<2000x152xf32, #tpu.memory_space<vmem>>, vector<2000x152xf32>,
    %get3A_24 = arith.constant 0 : index
    %get3A_25 = arith.constant 0 : index
    %get3A_26 = vector.load %arg6[%get3A_24, %get3A_25] : memref<300x152xf32, #tpu.memory_space<vmem>>, vector<300x152xf32>
    %dot_general3A_27 = arith.constant dense<0.000000e+00> : vector<2000x152xf32>
    %dot_general3A_28 = tpu.matmul %add3A_9, %get3A_26, %dot_general3A_27 {dimension_numbers = #tpu.dot_dimension_numbers<[1], [0], [0], [1], [0, 0, 1, 1], [], []>, transpose_lhs_hint = false} : vector<2000x300xf32>, vector<300x152xf32>, vector<2000x152xf32> -> vector<2000x152xf32>
    %get3A_29 = arith.constant 0 : index
    %get3A_30 = arith.constant 0 : index
    %get3A_31 = vector.load %arg7[%get3A_29, %get3A_30] : memref<1x152xf32, #tpu.memory_space<vmem>>, vector<1x152xf32>
    %add3A_32 = vector.broadcast %get3A_31 : vector<1x152xf32> to vector<2000x152xf32>
    %add3A_33 = arith.addf %dot_general3A_28, %add3A_32 : vector<2000x152xf32>
    %max3A_34 = arith.constant 0.000000e+00 : f32
    %max3A_35 = vector.broadcast %max3A_34 : f32 to vector<2000x152xf32>
    %max3A_36 = arith.maximumf %add3A_33, %max3A_35 : vector<2000x152xf32>
    %swap3A_37 = arith.constant 0 : index
    %swap3A_38 = arith.constant 0 : index
    %swap3A_39 = vector.load %arg9[%swap3A_37, %swap3A_38] : memref<2000x152xf32, #tpu.memory_space<vmem>>, vector<2000x152xf32>
    tpu.vector_store %arg9[%swap3A_37, %swap3A_38], %max3A_36 {strides = array<i32>} : memref<2000x152xf32, #tpu.memory_space<vmem>>, vector<2000x152xf32>,
    return
  }
  func.func @transform_0(%arg0: i32) -> (i32, i32) {
    %c0_i32 = arith.constant 0 : i32
    %c0_i32_0 = arith.constant 0 : i32
    return %arg0, %c0_i32 : i32, i32
  }
  func.func @transform_1(%arg0: i32) -> (i32, i32) {
    %c0_i32 = arith.constant 0 : i32
    %c0_i32_0 = arith.constant 0 : i32
    %c0_i32_1 = arith.constant 0 : i32
    return %c0_i32, %c0_i32_0 : i32, i32
  }
  func.func @transform_2(%arg0: i32) -> (i32, i32) {
    %c0_i32 = arith.constant 0 : i32
    %c0_i32_0 = arith.constant 0 : i32
    %c0_i32_1 = arith.constant 0 : i32
    return %c0_i32, %c0_i32_0 : i32, i32
  }
  func.func @transform_3(%arg0: i32) -> (i32, i32) {
    %c0_i32 = arith.constant 0 : i32
    %c0_i32_0 = arith.constant 0 : i32
    %c0_i32_1 = arith.constant 0 : i32
    return %c0_i32, %c0_i32_0 : i32, i32
  }
  func.func @transform_4(%arg0: i32) -> (i32, i32) {
    %c0_i32 = arith.constant 0 : i32
    %c0_i32_0 = arith.constant 0 : i32
    %c0_i32_1 = arith.constant 0 : i32
    return %c0_i32, %c0_i32_0 : i32, i32
  }
  func.func @transform_5(%arg0: i32) -> (i32, i32) {
    %c0_i32 = arith.constant 0 : i32
    %c0_i32_0 = arith.constant 0 : i32
    %c0_i32_1 = arith.constant 0 : i32
    return %c0_i32, %c0_i32_0 : i32, i32
  }
  func.func @transform_6(%arg0: i32) -> (i32, i32) {
    %c0_i32 = arith.constant 0 : i32
    %c0_i32_0 = arith.constant 0 : i32
    %c0_i32_1 = arith.constant 0 : i32
    return %c0_i32, %c0_i32_0 : i32, i32
  }
  func.func @transform_7(%arg0: i32) -> (i32, i32) {
    %c0_i32 = arith.constant 0 : i32
    %c0_i32_0 = arith.constant 0 : i32
    return %arg0, %c0_i32 : i32, i32
  }
  func.func @transform_8(%arg0: i32) -> (i32, i32) {
    %c0_i32 = arith.constant 0 : i32
    %c0_i32_0 = arith.constant 0 : i32
    return %arg0, %c0_i32 : i32, i32
  }
}

module attributes {stable_mosaic.version = 14 : i64} {
  func.func @_tc_mid_body(%arg0: i32, %arg1: memref<2000x152xf32, #tpu.memory_space<vmem>>, %arg2: memref<2000x152xf32, #tpu.memory_space<vmem>>, %arg3: memref<152x300xf32, #tpu.memory_space<vmem>>, %arg4: memref<152x300xf32, #tpu.memory_space<vmem>>, %arg5: memref<1x300xf32, #tpu.memory_space<vmem>>, %arg6: memref<300x152xf32, #tpu.memory_space<vmem>>, %arg7: memref<1x152xf32, #tpu.memory_space<vmem>>, %arg8: memref<300x152xf32, #tpu.memory_space<vmem>>, %arg9: memref<1x152xf32, #tpu.memory_space<vmem>>, %arg10: memref<2000x152xf32, #tpu.memory_space<vmem>>, %arg11: memref<2000x152xf32, #tpu.memory_space<vmem>>) attributes {dimension_semantics = [#tpu.dimension_semantics<arbitrary>], iteration_bounds = array<i64: 5>, scalar_prefetch = 0 : i64, scratch_operands = 0 : i64, tpu.core_type = #tpu.core_type<tc>, window_params = [{transform_indices = @transform_0, window_bounds = array<i64: 2000, 152>}, {transform_indices = @transform_1, window_bounds = array<i64: 2000, 152>}, {pipeline_mode = #tpu.pipeline_mode<synchronous>, transform_indices = @transform_2, window_bounds = array<i64: 152, 300>}, {pipeline_mode = #tpu.pipeline_mode<synchronous>, transform_indices = @transform_3, window_bounds = array<i64: 152, 300>}, {pipeline_mode = #tpu.pipeline_mode<synchronous>, transform_indices = @transform_4, window_bounds = array<i64: 1, 300>}, {pipeline_mode = #tpu.pipeline_mode<synchronous>, transform_indices = @transform_5, window_bounds = array<i64: 300, 152>}, {pipeline_mode = #tpu.pipeline_mode<synchronous>, transform_indices = @transform_6, window_bounds = array<i64: 1, 152>}, {pipeline_mode = #tpu.pipeline_mode<synchronous>, transform_indices = @transform_7, window_bounds = array<i64: 300, 152>}, {pipeline_mode = #tpu.pipeline_mode<synchronous>, transform_indices = @transform_8, window_bounds = array<i64: 1, 152>}, {transform_indices = @transform_9, window_bounds = array<i64: 2000, 152>}, {transform_indices = @transform_10, window_bounds = array<i64: 2000, 152>}]} {
    %get3A = arith.constant 0 : index
    %get3A_0 = arith.constant 0 : index
    %get3A_1 = vector.load %arg1[%get3A, %get3A_0] : memref<2000x152xf32, #tpu.memory_space<vmem>>, vector<2000x152xf32>
    %get3A_2 = arith.constant 0 : index
    %get3A_3 = arith.constant 0 : index
    %get3A_4 = vector.load %arg3[%get3A_2, %get3A_3] : memref<152x300xf32, #tpu.memory_space<vmem>>, vector<152x300xf32>
    %dot_general3A = arith.constant dense<0.000000e+00> : vector<2000x300xf32>
    %dot_general3A_5 = tpu.matmul %get3A_1, %get3A_4, %dot_general3A {dimension_numbers = #tpu.dot_dimension_numbers<[1], [0], [0], [1], [0, 0, 1, 1], [], []>, transpose_lhs_hint = false} : vector<2000x152xf32>, vector<152x300xf32>, vector<2000x300xf32> -> vector<2000x300xf32>
    %get3A_6 = arith.constant 0 : index
    %get3A_7 = arith.constant 0 : index
    %get3A_8 = vector.load %arg2[%get3A_6, %get3A_7] : memref<2000x152xf32, #tpu.memory_space<vmem>>, vector<2000x152xf32>
    %get3A_9 = arith.constant 0 : index
    %get3A_10 = arith.constant 0 : index
    %get3A_11 = vector.load %arg4[%get3A_9, %get3A_10] : memref<152x300xf32, #tpu.memory_space<vmem>>, vector<152x300xf32>
    %dot_general3A_12 = arith.constant dense<0.000000e+00> : vector<2000x300xf32>
    %dot_general3A_13 = tpu.matmul %get3A_8, %get3A_11, %dot_general3A_12 {dimension_numbers = #tpu.dot_dimension_numbers<[1], [0], [0], [1], [0, 0, 1, 1], [], []>, transpose_lhs_hint = false} : vector<2000x152xf32>, vector<152x300xf32>, vector<2000x300xf32> -> vector<2000x300xf32>
    %add3A = arith.addf %dot_general3A_5, %dot_general3A_13 : vector<2000x300xf32>
    %get3A_14 = arith.constant 0 : index
    %get3A_15 = arith.constant 0 : index
    %get3A_16 = vector.load %arg5[%get3A_14, %get3A_15] : memref<1x300xf32, #tpu.memory_space<vmem>>, vector<1x300xf32>
    %add3A_17 = vector.broadcast %get3A_16 : vector<1x300xf32> to vector<2000x300xf32>
    %add3A_18 = arith.addf %add3A, %add3A_17 : vector<2000x300xf32>
    %max3A = arith.constant 0.000000e+00 : f32
    %max3A_19 = vector.broadcast %max3A : f32 to vector<2000x300xf32>
    %max3A_20 = arith.maximumf %add3A_18, %max3A_19 : vector<2000x300xf32>
    %get3A_21 = arith.constant 0 : index
    %get3A_22 = arith.constant 0 : index
    %get3A_23 = vector.load %arg6[%get3A_21, %get3A_22] : memref<300x152xf32, #tpu.memory_space<vmem>>, vector<300x152xf32>
    %dot_general3A_24 = arith.constant dense<0.000000e+00> : vector<2000x152xf32>
    %dot_general3A_25 = tpu.matmul %max3A_20, %get3A_23, %dot_general3A_24 {dimension_numbers = #tpu.dot_dimension_numbers<[1], [0], [0], [1], [0, 0, 1, 1], [], []>, transpose_lhs_hint = false} : vector<2000x300xf32>, vector<300x152xf32>, vector<2000x152xf32> -> vector<2000x152xf32>
    %get3A_26 = arith.constant 0 : index
    %get3A_27 = arith.constant 0 : index
    %get3A_28 = vector.load %arg7[%get3A_26, %get3A_27] : memref<1x152xf32, #tpu.memory_space<vmem>>, vector<1x152xf32>
    %add3A_29 = vector.broadcast %get3A_28 : vector<1x152xf32> to vector<2000x152xf32>
    %add3A_30 = arith.addf %dot_general3A_25, %add3A_29 : vector<2000x152xf32>
    %max3A_31 = arith.constant 0.000000e+00 : f32
    %max3A_32 = vector.broadcast %max3A_31 : f32 to vector<2000x152xf32>
    %max3A_33 = arith.maximumf %add3A_30, %max3A_32 : vector<2000x152xf32>
    %swap3A = arith.constant 0 : index
    %swap3A_34 = arith.constant 0 : index
    %swap3A_35 = vector.load %arg10[%swap3A, %swap3A_34] : memref<2000x152xf32, #tpu.memory_space<vmem>>, vector<2000x152xf32>
    tpu.vector_store %arg10[%swap3A, %swap3A_34], %max3A_33 {strides = array<i32>} : memref<2000x152xf32, #tpu.memory_space<vmem>>, vector<2000x152xf32>,
    %get3A_36 = arith.constant 0 : index
    %get3A_37 = arith.constant 0 : index
    %get3A_38 = vector.load %arg8[%get3A_36, %get3A_37] : memref<300x152xf32, #tpu.memory_space<vmem>>, vector<300x152xf32>
    %dot_general3A_39 = arith.constant dense<0.000000e+00> : vector<2000x152xf32>
    %dot_general3A_40 = tpu.matmul %max3A_20, %get3A_38, %dot_general3A_39 {dimension_numbers = #tpu.dot_dimension_numbers<[1], [0], [0], [1], [0, 0, 1, 1], [], []>, transpose_lhs_hint = false} : vector<2000x300xf32>, vector<300x152xf32>, vector<2000x152xf32> -> vector<2000x152xf32>
    %get3A_41 = arith.constant 0 : index
    %get3A_42 = arith.constant 0 : index
    %get3A_43 = vector.load %arg9[%get3A_41, %get3A_42] : memref<1x152xf32, #tpu.memory_space<vmem>>, vector<1x152xf32>
    %add3A_44 = vector.broadcast %get3A_43 : vector<1x152xf32> to vector<2000x152xf32>
    %add3A_45 = arith.addf %dot_general3A_40, %add3A_44 : vector<2000x152xf32>
    %max3A_46 = arith.constant 0.000000e+00 : f32
    %max3A_47 = vector.broadcast %max3A_46 : f32 to vector<2000x152xf32>
    %max3A_48 = arith.maximumf %add3A_45, %max3A_47 : vector<2000x152xf32>
    %swap3A_49 = arith.constant 0 : index
    %swap3A_50 = arith.constant 0 : index
    %swap3A_51 = vector.load %arg11[%swap3A_49, %swap3A_50] : memref<2000x152xf32, #tpu.memory_space<vmem>>, vector<2000x152xf32>
    tpu.vector_store %arg11[%swap3A_49, %swap3A_50], %max3A_48 {strides = array<i32>} : memref<2000x152xf32, #tpu.memory_space<vmem>>, vector<2000x152xf32>,
    return
  }
  func.func @transform_0(%arg0: i32) -> (i32, i32) {
    %c0_i32 = arith.constant 0 : i32
    %c0_i32_0 = arith.constant 0 : i32
    return %arg0, %c0_i32 : i32, i32
  }
  func.func @transform_1(%arg0: i32) -> (i32, i32) {
    %c0_i32 = arith.constant 0 : i32
    %c0_i32_0 = arith.constant 0 : i32
    return %arg0, %c0_i32 : i32, i32
  }
  func.func @transform_2(%arg0: i32) -> (i32, i32) {
    %c0_i32 = arith.constant 0 : i32
    %c0_i32_0 = arith.constant 0 : i32
    %c0_i32_1 = arith.constant 0 : i32
    return %c0_i32, %c0_i32_0 : i32, i32
  }
  func.func @transform_3(%arg0: i32) -> (i32, i32) {
    %c0_i32 = arith.constant 0 : i32
    %c0_i32_0 = arith.constant 0 : i32
    %c0_i32_1 = arith.constant 0 : i32
    return %c0_i32, %c0_i32_0 : i32, i32
  }
  func.func @transform_4(%arg0: i32) -> (i32, i32) {
    %c0_i32 = arith.constant 0 : i32
    %c0_i32_0 = arith.constant 0 : i32
    %c0_i32_1 = arith.constant 0 : i32
    return %c0_i32, %c0_i32_0 : i32, i32
  }
  func.func @transform_5(%arg0: i32) -> (i32, i32) {
    %c0_i32 = arith.constant 0 : i32
    %c0_i32_0 = arith.constant 0 : i32
    %c0_i32_1 = arith.constant 0 : i32
    return %c0_i32, %c0_i32_0 : i32, i32
  }
  func.func @transform_6(%arg0: i32) -> (i32, i32) {
    %c0_i32 = arith.constant 0 : i32
    %c0_i32_0 = arith.constant 0 : i32
    %c0_i32_1 = arith.constant 0 : i32
    return %c0_i32, %c0_i32_0 : i32, i32
  }
  func.func @transform_7(%arg0: i32) -> (i32, i32) {
    %c0_i32 = arith.constant 0 : i32
    %c0_i32_0 = arith.constant 0 : i32
    %c0_i32_1 = arith.constant 0 : i32
    return %c0_i32, %c0_i32_0 : i32, i32
  }
  func.func @transform_8(%arg0: i32) -> (i32, i32) {
    %c0_i32 = arith.constant 0 : i32
    %c0_i32_0 = arith.constant 0 : i32
    %c0_i32_1 = arith.constant 0 : i32
    return %c0_i32, %c0_i32_0 : i32, i32
  }
  func.func @transform_9(%arg0: i32) -> (i32, i32) {
    %c0_i32 = arith.constant 0 : i32
    %c0_i32_0 = arith.constant 0 : i32
    return %arg0, %c0_i32 : i32, i32
  }
  func.func @transform_10(%arg0: i32) -> (i32, i32) {
    %c0_i32 = arith.constant 0 : i32
    %c0_i32_0 = arith.constant 0 : i32
    return %arg0, %c0_i32 : i32, i32
  }
}

module attributes {stable_mosaic.version = 14 : i64} {
  func.func @_tc_read_body(%arg0: i32, %arg1: memref<2000x152xf32, #tpu.memory_space<vmem>>, %arg2: memref<2000x152xf32, #tpu.memory_space<vmem>>, %arg3: memref<152x300xf32, #tpu.memory_space<vmem>>, %arg4: memref<152x300xf32, #tpu.memory_space<vmem>>, %arg5: memref<1x300xf32, #tpu.memory_space<vmem>>, %arg6: memref<300x128xf32, #tpu.memory_space<vmem>>, %arg7: memref<1x128xf32, #tpu.memory_space<vmem>>, %arg8: memref<1x1x2000xi32, #tpu.memory_space<vmem>>, %arg9: memref<10x128xf32, #tpu.memory_space<vmem>>) attributes {dimension_semantics = [#tpu.dimension_semantics<arbitrary>], iteration_bounds = array<i64: 5>, scalar_prefetch = 0 : i64, scratch_operands = 0 : i64, tpu.core_type = #tpu.core_type<tc>, window_params = [{transform_indices = @transform_0, window_bounds = array<i64: 2000, 152>}, {transform_indices = @transform_1, window_bounds = array<i64: 2000, 152>}, {pipeline_mode = #tpu.pipeline_mode<synchronous>, transform_indices = @transform_2, window_bounds = array<i64: 152, 300>}, {pipeline_mode = #tpu.pipeline_mode<synchronous>, transform_indices = @transform_3, window_bounds = array<i64: 152, 300>}, {pipeline_mode = #tpu.pipeline_mode<synchronous>, transform_indices = @transform_4, window_bounds = array<i64: 1, 300>}, {pipeline_mode = #tpu.pipeline_mode<synchronous>, transform_indices = @transform_5, window_bounds = array<i64: 300, 128>}, {pipeline_mode = #tpu.pipeline_mode<synchronous>, transform_indices = @transform_6, window_bounds = array<i64: 1, 128>}, {transform_indices = @transform_7, window_bounds = array<i64: 1, 1, 2000>}, {pipeline_mode = #tpu.pipeline_mode<synchronous>, transform_indices = @transform_8, window_bounds = array<i64: 10, 128>}]} {
    %get3A = arith.constant 0 : index
    %get3A_0 = arith.constant 0 : index
    %get3A_1 = vector.load %arg1[%get3A, %get3A_0] : memref<2000x152xf32, #tpu.memory_space<vmem>>, vector<2000x152xf32>
    %get3A_2 = arith.constant 0 : index
    %get3A_3 = arith.constant 0 : index
    %get3A_4 = vector.load %arg3[%get3A_2, %get3A_3] : memref<152x300xf32, #tpu.memory_space<vmem>>, vector<152x300xf32>
    %dot_general3A = arith.constant dense<0.000000e+00> : vector<2000x300xf32>
    %dot_general3A_5 = tpu.matmul %get3A_1, %get3A_4, %dot_general3A {dimension_numbers = #tpu.dot_dimension_numbers<[1], [0], [0], [1], [0, 0, 1, 1], [], []>, transpose_lhs_hint = false} : vector<2000x152xf32>, vector<152x300xf32>, vector<2000x300xf32> -> vector<2000x300xf32>
    %get3A_6 = arith.constant 0 : index
    %get3A_7 = arith.constant 0 : index
    %get3A_8 = vector.load %arg2[%get3A_6, %get3A_7] : memref<2000x152xf32, #tpu.memory_space<vmem>>, vector<2000x152xf32>
    %get3A_9 = arith.constant 0 : index
    %get3A_10 = arith.constant 0 : index
    %get3A_11 = vector.load %arg4[%get3A_9, %get3A_10] : memref<152x300xf32, #tpu.memory_space<vmem>>, vector<152x300xf32>
    %dot_general3A_12 = arith.constant dense<0.000000e+00> : vector<2000x300xf32>
    %dot_general3A_13 = tpu.matmul %get3A_8, %get3A_11, %dot_general3A_12 {dimension_numbers = #tpu.dot_dimension_numbers<[1], [0], [0], [1], [0, 0, 1, 1], [], []>, transpose_lhs_hint = false} : vector<2000x152xf32>, vector<152x300xf32>, vector<2000x300xf32> -> vector<2000x300xf32>
    %add3A = arith.addf %dot_general3A_5, %dot_general3A_13 : vector<2000x300xf32>
    %get3A_14 = arith.constant 0 : index
    %get3A_15 = arith.constant 0 : index
    %get3A_16 = vector.load %arg5[%get3A_14, %get3A_15] : memref<1x300xf32, #tpu.memory_space<vmem>>, vector<1x300xf32>
    %add3A_17 = vector.broadcast %get3A_16 : vector<1x300xf32> to vector<2000x300xf32>
    %add3A_18 = arith.addf %add3A, %add3A_17 : vector<2000x300xf32>
    %max3A = arith.constant 0.000000e+00 : f32
    %max3A_19 = vector.broadcast %max3A : f32 to vector<2000x300xf32>
    %max3A_20 = arith.maximumf %add3A_18, %max3A_19 : vector<2000x300xf32>
    %get3A_21 = arith.constant 0 : index
    %get3A_22 = arith.constant 0 : index
    %get3A_23 = vector.load %arg6[%get3A_21, %get3A_22] : memref<300x128xf32, #tpu.memory_space<vmem>>, vector<300x128xf32>
    %dot_general3A_24 = arith.constant dense<0.000000e+00> : vector<2000x128xf32>
    %dot_general3A_25 = tpu.matmul %max3A_20, %get3A_23, %dot_general3A_24 {dimension_numbers = #tpu.dot_dimension_numbers<[1], [0], [0], [1], [0, 0, 1, 1], [], []>, transpose_lhs_hint = false} : vector<2000x300xf32>, vector<300x128xf32>, vector<2000x128xf32> -> vector<2000x128xf32>
    %get3A_26 = arith.constant 0 : index
    %get3A_27 = arith.constant 0 : index
    %get3A_28 = vector.load %arg7[%get3A_26, %get3A_27] : memref<1x128xf32, #tpu.memory_space<vmem>>, vector<1x128xf32>
    %add3A_29 = vector.broadcast %get3A_28 : vector<1x128xf32> to vector<2000x128xf32>
    %add3A_30 = arith.addf %dot_general3A_25, %add3A_29 : vector<2000x128xf32>
    %get3A_31 = arith.constant 0 : index
    %get3A_32 = arith.constant 0 : index
    %get3A_33 = arith.constant 0 : index
    %get3A_34 = vector.load %arg8[%get3A_31, %get3A_32, %get3A_33] : memref<1x1x2000xi32, #tpu.memory_space<vmem>>, vector<1x1x2000xi32>
    %get3A_35 = vector.shape_cast %get3A_34 : vector<1x1x2000xi32> to vector<2000xi32>
    %iota3A = tpu.iota {dimensions = array<i32: 0>} : vector<10x2000xi32>
    %broadcast_in_dim3A = vector.shape_cast %get3A_35 : vector<2000xi32> to vector<1x2000xi32>
    %eq3A = vector.broadcast %broadcast_in_dim3A : vector<1x2000xi32> to vector<10x2000xi32>
    %eq3A_36 = arith.cmpi eq, %eq3A, %iota3A : vector<10x2000xi32>
    %convert_element_type3A = arith.extui %eq3A_36 : vector<10x2000xi1> to vector<10x2000xi32>
    %convert_element_type3A_37 = arith.sitofp %convert_element_type3A : vector<10x2000xi32> to vector<10x2000xf32>
    %eq3A_38 = arith.constant 0 : i32
    %eq3A_39 = arith.cmpi eq, %arg0, %eq3A_38 : i32
    %convert_element_type3A_40 = arith.extui %eq3A_39 : i1 to i32
    %cond3A = arith.constant 0 : i32
    %cond3A_41 = arith.cmpi ne, %convert_element_type3A_40, %cond3A : i32
    scf.if %cond3A_41 {
      %broadcast_in_dim3A_50 = arith.constant 0.000000e+00 : f32
      %broadcast_in_dim3A_51 = vector.broadcast %broadcast_in_dim3A_50 : f32 to vector<10x128xf32>
      %swap3A_52 = arith.constant 0 : index
      %swap3A_53 = arith.constant 0 : index
      %swap3A_54 = vector.load %arg9[%swap3A_52, %swap3A_53] : memref<10x128xf32, #tpu.memory_space<vmem>>, vector<10x128xf32>
      tpu.vector_store %arg9[%swap3A_52, %swap3A_53], %broadcast_in_dim3A_51 {strides = array<i32>} : memref<10x128xf32, #tpu.memory_space<vmem>>, vector<10x128xf32>,
    } else {
    }
    %get3A_42 = arith.constant 0 : index
    %get3A_43 = arith.constant 0 : index
    %get3A_44 = vector.load %arg9[%get3A_42, %get3A_43] : memref<10x128xf32, #tpu.memory_space<vmem>>, vector<10x128xf32>
    %dot_general3A_45 = arith.constant dense<0.000000e+00> : vector<10x128xf32>
    %dot_general3A_46 = tpu.matmul %convert_element_type3A_37, %add3A_30, %dot_general3A_45 {dimension_numbers = #tpu.dot_dimension_numbers<[1], [0], [0], [1], [0, 0, 1, 1], [], []>, transpose_lhs_hint = false} : vector<10x2000xf32>, vector<2000x128xf32>, vector<10x128xf32> -> vector<10x128xf32>
    %add3A_47 = arith.addf %get3A_44, %dot_general3A_46 : vector<10x128xf32>
    %swap3A = arith.constant 0 : index
    %swap3A_48 = arith.constant 0 : index
    %swap3A_49 = vector.load %arg9[%swap3A, %swap3A_48] : memref<10x128xf32, #tpu.memory_space<vmem>>, vector<10x128xf32>
    tpu.vector_store %arg9[%swap3A, %swap3A_48], %add3A_47 {strides = array<i32>} : memref<10x128xf32, #tpu.memory_space<vmem>>, vector<10x128xf32>,
    return
  }
  func.func @transform_0(%arg0: i32) -> (i32, i32) {
    %c0_i32 = arith.constant 0 : i32
    %c0_i32_0 = arith.constant 0 : i32
    return %arg0, %c0_i32 : i32, i32
  }
  func.func @transform_1(%arg0: i32) -> (i32, i32) {
    %c0_i32 = arith.constant 0 : i32
    %c0_i32_0 = arith.constant 0 : i32
    return %arg0, %c0_i32 : i32, i32
  }
  func.func @transform_2(%arg0: i32) -> (i32, i32) {
    %c0_i32 = arith.constant 0 : i32
    %c0_i32_0 = arith.constant 0 : i32
    %c0_i32_1 = arith.constant 0 : i32
    return %c0_i32, %c0_i32_0 : i32, i32
  }
  func.func @transform_3(%arg0: i32) -> (i32, i32) {
    %c0_i32 = arith.constant 0 : i32
    %c0_i32_0 = arith.constant 0 : i32
    %c0_i32_1 = arith.constant 0 : i32
    return %c0_i32, %c0_i32_0 : i32, i32
  }
  func.func @transform_4(%arg0: i32) -> (i32, i32) {
    %c0_i32 = arith.constant 0 : i32
    %c0_i32_0 = arith.constant 0 : i32
    %c0_i32_1 = arith.constant 0 : i32
    return %c0_i32, %c0_i32_0 : i32, i32
  }
  func.func @transform_5(%arg0: i32) -> (i32, i32) {
    %c0_i32 = arith.constant 0 : i32
    %c0_i32_0 = arith.constant 0 : i32
    %c0_i32_1 = arith.constant 0 : i32
    return %c0_i32, %c0_i32_0 : i32, i32
  }
  func.func @transform_6(%arg0: i32) -> (i32, i32) {
    %c0_i32 = arith.constant 0 : i32
    %c0_i32_0 = arith.constant 0 : i32
    %c0_i32_1 = arith.constant 0 : i32
    return %c0_i32, %c0_i32_0 : i32, i32
  }
  func.func @transform_7(%arg0: i32) -> (i32, i32, i32) {
    %c0_i32 = arith.constant 0 : i32
    %c0_i32_0 = arith.constant 0 : i32
    %c0_i32_1 = arith.constant 0 : i32
    return %arg0, %c0_i32, %c0_i32_0 : i32, i32, i32
  }
  func.func @transform_8(%arg0: i32) -> (i32, i32) {
    %c0_i32 = arith.constant 0 : i32
    %c0_i32_0 = arith.constant 0 : i32
    %c0_i32_1 = arith.constant 0 : i32
    return %c0_i32, %c0_i32_0 : i32, i32
  }
}

</mosaic_0001>

<sc_bundles>
// kernel: kernel.12.cloned.1.call-start
scs
__scs_entry_jumppad:
0x0: {  	(pc) =	sbr.rel $0x88, $3  }
0x1: {  	(tag) =	ssettag $0x0;
	lr =	simm.s32 $0x1  }
0x2: {  	[smem:$0x3F8E] =	sst lr;
	_ =	strace $0xD0000000  }
0x3: {  	_ = 	snop  }
0x4: {  	_ = 	snop  }
0x5: {  	_ = 	snop  }
0x6: {  	_ = 	snop  }
0x7: {  	_ = 	snop  }
__scs_overlays_trampoline_lowered:
0x8: {  	[smem:$0x3F9D] =	sst s0  }
0x9: {  	[smem:$0x3F9E] =	sst s1  }
0xa: {  	[smem:$0x3F9F] =	sst s2  }
0xb: {  	[smem:$0x3FA0] =	sst s3  }
0xc: {  	[smem:$0x3FA1] =	sst s4  }
0xd: {  	[smem:$0x3FA2] =	sst s5  }
0xe: {  	[smem:$0x3FA3] =	sst s6  }
0xf: {  	[smem:$0x3FA4] =	sst s7  }
0x10: {  	[smem:$0x3FA5] =	sst s8  }
0x11: {  	[smem:$0x3FA6] =	sst s9;
	s0 =	simm.s32 @!p0 $0x0  }
0x12: {  	s1 =	sld [smem:$0x3F8C];
	s0 =	simm.s32 @p0 $0x1  }
0x13: {  	[smem:$0x3FA7] =	sst s0;
	s0 =	simm.s32 @!p1 $0x0  }
0x14: {  	s2 =	sld [smem:$0x3F8B];
	s0 =	simm.s32 @p1 $0x1  }
0x15: {  	[smem:$0x3FA8] =	sst s0;
	s0 =	simm.s32 @!p2 $0x0  }
0x16: {  	s3 =	sld [smem:$0x3FDB];
	s0 =	simm.s32 @p2 $0x1  }
0x17: {  	s4 =	simm.s32 $0x1BF5;
	[smem:$0x3FAA] =	sst s0  }
0x18: {  	s0 =	sld [smem:$0x3F8D];
	_ =	swait.ge [sflag:s4], $0x0  }
0x19: {  	s7 =	sld [smem:$0x3F8E]  }
0x1a: {  	s8 =	sadd.s32 $0xFFFFE003, lr  }
0x1b: {  	s9 =	sadd.s32 $0xFFFFFEF7, lr;
	s5 =	simm.s32 $0xFFFFFFFF;
	p2 =	slt.u32 s8, $0xFFFFF086  }
0x1c: {  	p1 =	slt.u32 s9, $0xF7A;
	s5 =	simm.s32 @!p2 $0x0  }
0x1d: {  	s5 =	simm.s32 @p1 $0x1;
	p0 =	seq.s32 s7, s2  }
0x1e: {  	s7 =	smul.u32 @!p0 $0xF7A, s2;
	p2 =	seq.s32 @!p0 s5, $0x0  }
0x1f: {  	s9 =	smul.u32 $0xF7A, s1;
	s8 =	simm.s32 @!p0 $0x1BF5;
	p2 =	por !p2, p0  }
0x20: {  	[sflag:s8] =	ssyncset.s32 @!p0 $0xFFFFF086;
	s6 =	sadd.s32 @!p0 s3, s7;
	s7 =	simm.s32 @!p0 $0x108  }
0x21: {  	s3 =	sadd.s32 s3, s9;
	s6 =	sadd.s32 @!p0 $0x88, s6;
	s7 =	simm.s32 @p2 $0x1082  }
0x22: {  	[simem:s7], [sflag:s8] =	dma.local @!p0 [hbm:s6], $0xF7A  }
0x23: {  	s9 =	sor.u32 $0xD0000000, s2;
	s6 =	simm.s32 $0x108;
	_ =	swait.ge @!p0 [sflag:s8], $0x0  }
0x24: {  	s3 =	sadd.s32 $0x88, s3;
	s6 =	simm.s32 @!p1 $0x1082;
	[sflag:s4] =	ssyncset.s32 $0xFFFFF086  }
0x25: {  	[simem:s6], [sflag:s4] =	dma.local [hbm:s3], $0xF7A  }
0x26: {  	[smem:$0x3F8E] =	sst s1;
	(tag) =	ssettag s2;
	_ =	strace s9  }
0x27: {  	s1 =	sld [smem:$0x3F9E]  }
0x28: {  	s2 =	sld [smem:$0x3F9F]  }
0x29: {  	s4 =	sld [smem:$0x3FA1]  }
0x2a: {  	p0 =	seq.s32 s5, $0x0;
	s5 =	sld [smem:$0x3FA2]  }
0x2b: {  	s6 =	sld [smem:$0x3FA3]  }
0x2c: {  	s7 =	sld [smem:$0x3FA4]  }
0x2d: {  	s3 =	simm.s32 $0x108;
	s8 =	sld [smem:$0x3FA5]  }
0x2e: {  	s3 =	simm.s32 @!p0 $0x1082;
	s9 =	sld [smem:$0x3FA6]  }
0x2f: {  	lr =	sadd.s32 s0, s3;
	s0 =	sld [smem:$0x3F9D]  }
0x30: {  	s3 =	sld [smem:$0x3FA0]  }
0x31: {  	[smem:$0x3FA9] =	sst s10  }
0x32: {  	s10 =	sld [smem:$0x3FA7];
	_ =	sdelay $0x3  }
0x33: {  	p0 =	seq.s32 s10, $0x1;
	s10 =	sld [smem:$0x3FA9];
	_ =	sdelay $0x3  }
0x34: {  	[smem:$0x3FA9] =	sst s10  }
0x35: {  	s10 =	sld [smem:$0x3FA8];
	_ =	sdelay $0x3  }
0x36: {  	p1 =	seq.s32 s10, $0x1;
	s10 =	sld [smem:$0x3FA9];
	_ =	sdelay $0x3  }
0x37: {  	[smem:$0x3FA9] =	sst s10  }
0x38: {  	s10 =	sld [smem:$0x3FAA]  }
0x39: {  	_ = 	snop;
	(pc) =	sbr.ind lr, $3  }
0x3a: {  	_ = 	snop  }
0x3b: {  	_ = 	snop  }
0x3c: {  	p2 =	seq.s32 s10, $0x1;
	s10 =	sld [smem:$0x3FA9]  }
0x3d: {  	_ =	shalt  }
0x3e: {  	_ =	shalt  }
0x3f: {  	_ =	shalt  }
0x40: {  	_ =	shalt  }
0x41: {  	_ =	shalt  }
0x42: {  	_ =	shalt  }
0x43: {  	_ =	shalt  }
0x44: {  	_ =	shalt  }
0x45: {  	_ =	shalt  }
0x46: {  	_ =	shalt  }
0x47: {  	_ =	shalt  }
0x48: {  	_ =	shalt  }
0x49: {  	_ =	shalt  }
0x4a: {  	_ =	shalt  }
0x4b: {  	_ =	shalt  }
0x4c: {  	_ =	shalt  }
0x4d: {  	_ =	shalt  }
0x4e: {  	_ =	shalt  }
0x4f: {  	_ =	shalt  }
0x50: {  	_ =	shalt  }
0x51: {  	_ =	shalt  }
0x52: {  	_ =	shalt  }
0x53: {  	_ =	shalt  }
0x54: {  	_ =	shalt  }
0x55: {  	_ =	shalt  }
0x56: {  	_ =	shalt  }
0x57: {  	_ =	shalt  }
0x58: {  	_ =	shalt  }
0x59: {  	_ =	shalt  }
0x5a: {  	_ =	shalt  }
0x5b: {  	_ =	shalt  }
0x5c: {  	_ =	shalt  }
0x5d: {  	_ =	shalt  }
0x5e: {  	_ =	shalt  }
0x5f: {  	_ =	shalt  }
0x60: {  	_ =	shalt  }
0x61: {  	_ =	shalt  }
0x62: {  	_ =	shalt  }
0x63: {  	_ =	shalt  }
0x64: {  	_ =	shalt  }
0x65: {  	_ =	shalt  }
0x66: {  	_ =	shalt  }
0x67: {  	_ =	shalt  }
0x68: {  	_ =	shalt  }
0x69: {  	_ =	shalt  }
0x6a: {  	_ =	shalt  }
0x6b: {  	_ =	shalt  }
0x6c: {  	_ =	shalt  }
0x6d: {  	_ =	shalt  }
0x6e: {  	_ =	shalt  }
0x6f: {  	_ =	shalt  }
0x70: {  	_ =	shalt  }
0x71: {  	_ =	shalt  }
0x72: {  	_ =	shalt  }
0x73: {  	_ =	shalt  }
0x74: {  	_ =	shalt  }
0x75: {  	_ =	shalt  }
0x76: {  	_ =	shalt  }
0x77: {  	_ =	shalt  }
0x78: {  	_ =	shalt  }
0x79: {  	_ =	shalt  }
0x7a: {  	_ =	shalt  }
0x7b: {  	_ =	shalt  }
0x7c: {  	_ =	shalt  }
0x7d: {  	_ =	shalt  }
0x7e: {  	_ =	shalt  }
0x7f: {  	_ =	shalt  }
0x80: {  	_ =	shalt  }
0x81: {  	_ =	shalt  }
0x82: {  	_ =	shalt  }
0x83: {  	_ =	shalt  }
0x84: {  	_ =	shalt  }
0x85: {  	_ =	shalt  }
0x86: {  	_ =	shalt  }
0x87: {  	_ =	shalt  }
.Lfunc_end0:
.L_simem_size_0:
called_computation.1_lowered:
.L_overlay_start_0:
0x88: {  	s2 =	sld [smem:$0x3FD9]  }
0x89: {  	s3 =	sld [smem:$0x3FFE];
	_ =	sdelay $0x1  }
0x8a: {  	s1 =	srdreg.scid  }
0x8b: {  	s0 =	sand.u32 $0x1, s1  }
0x8c: {  	s16 =	sshll.u32 s0, $0xA;
	s2 =	sadd.s32 s3, s2  }
0x8d: {  	s2 =	sadd.s32 s2, s16  }
0x8e: {  	[smem:$0x3FB5] =	sst s2  }
0x8f: {  	_ = 	snop  }
0x90: {  	(tm) =	ssettm $0x1  }
0x91: {  	s17 =	sld [smem:$0x3FFB];
	_ =	sdelay $0x3  }
0x92: {  	_ =	strace s17  }
0x93: {  	s2 =	sld [smem:$0x3FFC];
	_ =	sdelay $0x3  }
0x94: {  	_ =	strace s2  }
0x95: {  	s2 =	sld [smem:$0x3FFD];
	_ =	sdelay $0x3  }
0x96: {  	_ =	strace s2  }
0x97: {  	_ =	strace $0x8FFFFFFF  }
0x98: {  	s18 =	sld [smem:$0x3FDB];
	_ =	sdelay $0x1  }
0x99: {  	s19 =	simm.s32 $_scs_section_size  }
0x9a: {  	s4 =	simm.s32 $_size__tile_overlayer_lowered;
	s5 =	simm.s32 $_tile_overlayer_lowered  }
0x9b: {  	s22 =	simm.s32 $0x1BFF;
	s21 =	sshll.u32 s5, $0x1;
	s2 =	sadd.s32 s19, s18  }
0x9c: {  	s6 =	simm.s32 $0x0;
	s20 =	sshll.u32 s4, $0x1;
	s4 =	sadd.s32 s21, s2  }
0x9d: {  	[timem:s6], [sflag:s22] =	dma.local [hbm:s4], s20  }
0x9e: {  	_ =	swait.ge [sflag:s22], s20  }
0x9f: {  	s3 =	ssub.s32 $0x0, s20;
	[sflag:s22] =	ssyncset.done $0x0  }
0xa0: {  	[sflag:s22] =	ssyncadd.s32 s3;
	_ =	sdelay $0x1  }
0xa1: {  	s23 =	simm.s32 $0x1B8B  }
0xa2: {  	_ =	swait.ge [sflag:s23], $0x1  }
0xa3: {  	[sflag:s23] =	ssyncset.done $0x0  }
0xa4: {  	s25 =	simm.s32 $0x1B8E;
	s24 =	sld [smem:$0x3FFE];
	[sflag:s23] =	ssyncadd.s32 $0xFFFFFFFF  }
0xa5: {  	s26 =	simm.s32 $execute0_lowered;
	[smem:$0x3FD2] =	sst s25  }
0xa6: {  	s4 =	sshll.u32 s26, $0x1;
	_ =	strace $0x80000049;
	[dreg:$0x1] =	wrdreg $0xFFFFFFFF  }
0xa7: {  	s28 =	simm.s32 $_size_execute0_lowered;
	s2 =	sadd.s32 s2, s4;
	[dreg:$0x0] =	wrdreg $0x0  }
0xa8: {  	s4 =	sshll.u32 s28, $0x1;
	[dreg:$0x2] =	wrdreg s2  }
0xa9: {  	[dreg:$0x3] =	wrdreg s4  }
0xaa: {  	[dreg:$0x4] =	wrdreg $0xC0  }
0xab: {  	_ =	task [dreg:s6], $0x5FFFF  }
0xac: {  	[dreg:$0x1] =	wrdreg $0xFFFFFFFF  }
0xad: {  	[dreg:$0x0] =	wrdreg $0x60  }
0xae: {  	[dreg:$0x2] =	wrdreg s24  }
0xaf: {  	[dreg:$0x3] =	wrdreg $0x7DA00  }
0xb0: {  	[dreg:$0x4] =	wrdreg $0x9  }
0xb1: {  	_ =	task.clear_ibuf [dreg:s6], $0x5FFFF;
	_ =	strace $0x90000049  }
0xb2: {  	s29 =	simm.s32 $0x9;
	_ =	strace $0x8000004B  }
0xb3: {  	_ =	swait.ge [sflag:s29], $0x1  }
0xb4: {  	[sflag:s29] =	ssyncadd.s32 $0xFFFFFFFF  }
0xb5: {  	_ =	strace $0x9000004B  }
0xb6: {  	_ =	sfence  }
0xb7: {  	s30 =	sld [smem:$0x0];
	_ =	sdelay $0x2  }
0xb8: {  	s31 =	sshll.u32 s1, $0xD;
	s1 =	sshrl.u32 s1, $0x2  }
0xb9: {  	s3 =	sand.u32 $0x4000, s31;
	s1 =	sadd.s32 s1, s30  }
0xba: {  	s0 =	sor.u32 s3, s0;
	s1 =	sshll.u32 s1, $0x11  }
0xbb: {  	s0 =	sor.u32 s1, s0  }
0xbc: {  	s0 =	sadd.s32 $0x8F2B, s0  }
0xbd: {  	[sflag:s0] =	ssyncadd.remote.s32 $0x1  }
0xbe: {  	_ =	sfence.sel $0xFFFF  }
0xbf: {  	[dreg:$0x0] =	wrdreg $0xFFFFFFFF;
	(pc) =	sbr.abs _section_cstart, $3  }
0xc0: {  	[dreg:$0x1] =	wrdreg $0xFFFFFFFF  }
0xc1: {  	_ =	task.clear_ibuf [dreg:s6], $0x2FFFF;
	_ =	strace $0x9FFFFFFF  }
0xc2: {  	(tm) =	ssettm $0x7FFFFFFF  }
0xc3: {  	_ =	shalt  }
tec
execute0_lowered:
.L_overlay_start_1:
0x0: {  	(tag) =	ssettag $0x1  }
0x1: {  	s8 =	rddreg [dreg:$0x0]  }
0x2: {  	s2 =	rddreg [dreg:$0x1]  }
0x3: {  	s0 =	rddreg [dreg:$0x2];
	s3 =	simm.s32 $0x0;
	s1 =	stileid.u32  }
0x4: {  	s7 =	srdreg.scid;
	s16 =	simm.s32 $0x2710;
	s17 =	simm.s32 $0x28  }
0x5: {  	s18 =	simm.s32 $0x4E20;
	s19 =	simm.s32 $0x65E0;
	s20 =	simm.s32 $0x1  }
0x6: {  	s21 =	simm.s32 $0x2;
	s22 =	simm.s32 $0x26E8;
	s23 =	simm.s32 $0x4DD0  }
0x7: {  	s24 =	simm.s32 $0x4DF8;
	s25 =	simm.s32 $0x0;
	[smem:$0x7FF] =	sst s3  }
0x8: {  	s6 =	smul.u32 $0x4E2, s1;
	s4 =	sadd.s32 $0x40600, s8;
	s5 =	sadd.s32 $0x4E00, s8  }
0x9: {  	s14 =	sand.u32 $0x1, s7;
	s12 =	smul.u32 $0x17C00, s1;
	s7 =	sadd.s32 $0x9E600, s8  }
0xa: {  	s31 =	sshll.u32 s1, $0x6;
	_ =	strace $0x8000004A;
	s9 =	ssub.s32 $0x2, s14  }
.Ltmp0:
0xb: {  	p0 =	sne.s32 s14, $0x0;
	s11 =	sadd.s32 s6, s8;
	(pc) =	sbr.rel .LBB2_1-.Ltmp0, $4  }
0xc: {  	s6 =	sadd.s32 $0x3D600, s8;
	s8 =	sadd.s32 $0x6EE00, s8;
	s10 =	sshrl.u32 s9, $0x1  }
0xd: {  	s15 =	sadd.s32 s12, s2;
	s12 =	sshrl.u32 s12, $0x3;
	s13 =	ssub.s32 s9, s10  }
0xe: {  	s9 =	sor.u32 $0x1C03, s31;
	s10 =	sadd.s32 $0x38600, s11;
	s11 =	sadd.s32 $0x33600, s11  }
0xf: {  	s14 =	sshrl.u32 s15, $0x3;
	s15 =	simm.s32 $0x3;
	s13 =	smax.u32 s13, $0x1  }
.LBB2_7:
0x10: {  	s28 =	sadd.s32 $0x28, s26;
	[sflag:s15] =	ssyncadd.s32 $0xFFFFE840  }
0x11: {  	[tilespmem:s19], [sflag:$0x2] =	stream.indirect.gather [hbm4b:s5+s17], $0x98, s28, s17, $0xb8;
	[tilespmem:$0x1F9A0] =	vst v63  }
0x12: {  	_ =	swait.ge [sflag:s20], $0x17C0  }
0x13: {  	[sflag:s20] =	ssyncset.done $0x0  }
0x14: {  	s29 =	sadd.s32 $0x2710, s26;
	[sflag:s20] =	ssyncadd.s32 $0xFFFFE840  }
0x15: {  	[spmem:s2] =	stream.indirect.scatter.add.f32 [tilespmem:s18], [sflag:$0x3], $0x98, s29, s17, $0xb8;
	[tilespmem:$0x1F9A0] =	vst v63  }
0x16: {  	_ =	swait.ge [sflag:s15], $0x17C0  }
0x17: {  	[sflag:s15] =	ssyncset.done $0x0  }
0x18: {  	s30 =	sadd.s32 $0x50, s26;
	[sflag:s15] =	ssyncadd.s32 $0xFFFFE840  }
0x19: {  	[tilespmem:s18], [sflag:$0x1] =	stream.indirect.gather [hbm4b:s5+s17], $0x98, s30, s17, $0xb8;
	[tilespmem:$0x1F9A0] =	vst v63  }
0x1a: {  	_ =	swait.ge [sflag:s21], $0x17C0  }
0x1b: {  	[sflag:s21] =	ssyncset.done $0x0  }
0x1c: {  	s31 =	sadd.s32 $0x2738, s26;
	[sflag:s21] =	ssyncadd.s32 $0xFFFFE840  }
0x1d: {  	[spmem:s2] =	stream.indirect.scatter.add.f32 [tilespmem:s19], [sflag:$0x3], $0x98, s31, s17, $0xb8;
	[tilespmem:$0x1F9A0] =	vst v63  }
0x1e: {  	_ =	swait.ge [sflag:s15], $0x17C0  }
0x1f: {  	[sflag:s15] =	ssyncset.done $0x0  }
0x20: {  	s26 =	smov.u32 s8;
	[sflag:s15] =	ssyncadd.s32 $0xFFFFE840  }
0x21: {  	[tilespmem:s19], [sflag:$0x2] =	stream.indirect.gather [hbm4b:s5+s17], $0x98, s22, s17, $0xb8;
	[tilespmem:$0x1F9A0] =	vst v63  }
.LBB2_8:
0x22: {  	_ =	swait.ge [sflag:s20], $0x17C0  }
0x23: {  	[sflag:s20] =	ssyncset.done $0x0  }
0x24: {  	[sflag:s20] =	ssyncadd.s32 $0xFFFFE840  }
0x25: {  	[spmem:s2] =	stream.indirect.scatter.add.f32 [tilespmem:s18], [sflag:$0x3], $0x98, s23, s17, $0xb8;
	[tilespmem:$0x1F9A0] =	vst v63  }
0x26: {  	_ =	swait.ge [sflag:s15], $0x17C0  }
0x27: {  	[sflag:s15] =	ssyncset.done $0x0  }
0x28: {  	[sflag:s15] =	ssyncadd.s32 $0xFFFFE840  }
0x29: {  	_ =	swait.ge [sflag:s21], $0x17C0  }
0x2a: {  	[sflag:s21] =	ssyncset.done $0x0  }
0x2b: {  	[sflag:s21] =	ssyncadd.s32 $0xFFFFE840  }
0x2c: {  	[spmem:s2] =	stream.indirect.scatter.add.f32 [tilespmem:s19], [sflag:$0x3], $0x98, s24, s17, $0xb8;
	[tilespmem:$0x1F9A0] =	vst v63  }
0x2d: {  	_ =	swait.ge [sflag:s15], $0x17C0  }
0x2e: {  	s25 =	sadd.s32 $0x1, s25;
	[sflag:s15] =	ssyncset.done $0x0  }
0x2f: {  	p1 =	sne.s32 s25, s13;
	[sflag:s15] =	ssyncadd.s32 $0xFFFFE840  }
.Ltmp1:
0x30: {  	s26 =	sadd.s32 s26, s12;
	[bflag:$0x0] =	sbarrier.arrive $0xFFFF;
	(pc) =	sbr.rel @!p1 .LBB2_9-.Ltmp1, $4  }
0x31: {  	[hbm:s26], [sflag:s9] =	dma.local [spmem:s14], $0x2F80  }
0x32: {  	_ =	swait.ge [sflag:s15], $0x2F80  }
0x33: {  	[sflag:s15] =	ssyncset.done $0x0  }
0x34: {  	[sflag:s15] =	ssyncadd.s32 $0xFFFFD080  }
.LBB2_1:
0x35: {  	[spmem:s14], [sflag:s9] =	dma.local [hbm:s6], $0x2F80  }
0x36: {  	_ =	swait.ge [sflag:s15], $0x2F80  }
0x37: {  	[sflag:s15] =	ssyncset.done $0x0  }
0x38: {  	[sflag:s15] =	ssyncadd.s32 $0xFFFFD080  }
0x39: {  	[tilespmem:s3], [sflag:$0x3] =	stream.linear.gather [hbm4b:s10+s3], $0x2710, $0x38;
	[tilespmem:$0x1F9A0] =	vst v63  }
0x3a: {  	_ =	swait.ge [sflag:s15], $0x2710  }
0x3b: {  	[sflag:s15] =	ssyncset.done $0x0  }
0x3c: {  	[sflag:s15] =	ssyncadd.s32 $0xFFFFD8F0  }
0x3d: {  	[tilespmem:s16], [sflag:$0x3] =	stream.linear.gather [hbm4b:s11+s3], $0x2710, $0x38;
	[tilespmem:$0x1F9A0] =	vst v63  }
.Ltmp2:
0x3e: {  	_ =	swait.ge [sflag:s15], $0x2710;
	(pc) =	sbr.rel @p0 .LBB2_5-.Ltmp2, $4  }
0x3f: {  	[sflag:s15] =	ssyncset.done $0x0  }
0x40: {  	[sflag:s15] =	ssyncadd.s32 $0xFFFFD8F0  }
0x41: {  	[bflag:$0x0] =	sbarrier.arrive $0xFFFF  }
0x42: {  	s26 =	simm.s32 $0x0  }
0x43: {  	[tilespmem:s18], [sflag:$0x1] =	stream.indirect.gather [hbm4b:s4+s17], $0x98, s26, s17, $0xb8;
	[tilespmem:$0x1F9A0] =	vst v63  }
0x44: {  	s31 =	simm.s32 $0x28  }
0x45: {  	[tilespmem:s19], [sflag:$0x2] =	stream.indirect.gather [hbm4b:s4+s17], $0x98, s31, s17, $0xb8;
	[tilespmem:$0x1F9A0] =	vst v63  }
0x46: {  	_ =	swait.ge [sflag:s20], $0x17C0  }
0x47: {  	[sflag:s20] =	ssyncset.done $0x0  }
0x48: {  	s29 =	simm.s32 $0x2710;
	[sflag:s20] =	ssyncadd.s32 $0xFFFFE840  }
0x49: {  	[spmem:s2] =	stream.indirect.scatter.add.f32 [tilespmem:s18], [sflag:$0x3], $0x98, s29, s17, $0xb8;
	[tilespmem:$0x1F9A0] =	vst v63  }
0x4a: {  	_ =	swait.ge [sflag:s15], $0x17C0  }
0x4b: {  	[sflag:s15] =	ssyncset.done $0x0  }
0x4c: {  	s30 =	simm.s32 $0x50;
	[sflag:s15] =	ssyncadd.s32 $0xFFFFE840  }
0x4d: {  	[tilespmem:s18], [sflag:$0x1] =	stream.indirect.gather [hbm4b:s4+s17], $0x98, s30, s17, $0xb8;
	[tilespmem:$0x1F9A0] =	vst v63  }
0x4e: {  	_ =	swait.ge [sflag:s21], $0x17C0  }
0x4f: {  	[sflag:s21] =	ssyncset.done $0x0  }
0x50: {  	s31 =	simm.s32 $0x2738;
	[sflag:s21] =	ssyncadd.s32 $0xFFFFE840  }
0x51: {  	[spmem:s2] =	stream.indirect.scatter.add.f32 [tilespmem:s19], [sflag:$0x3], $0x98, s31, s17, $0xb8;
	[tilespmem:$0x1F9A0] =	vst v63  }
0x52: {  	_ =	swait.ge [sflag:s15], $0x17C0  }
0x53: {  	s28 =	simm.s32 $0x280;
	s26 =	simm.s32 $0x50;
	[sflag:s15] =	ssyncset.done $0x0  }
.LBB2_3:
0x54: {  	s29 =	sadd.s32 $0x28, s26  }
0x55: {  	[sflag:s15] =	ssyncadd.s32 $0xFFFFE840;
	s30 =	smov.u32 s28;
	s31 =	sadd.s32 $0x140, s28  }
0x56: {  	[tilespmem:s19], [sflag:$0x2] =	stream.indirect.gather [hbm4b:s4+s17], $0x98, s29, s17, $0xb8;
	[tilespmem:$0x1F9A0] =	vst v63  }
0x57: {  	p1 =	sne.s32 s28, $0x99C0;
	_ =	swait.ge [sflag:s20], $0x17C0  }
0x58: {  	[sflag:s20] =	ssyncset.done $0x0  }
0x59: {  	s28 =	sadd.s32 $0x2710, s26;
	[sflag:s20] =	ssyncadd.s32 $0xFFFFE840  }
0x5a: {  	[spmem:s2] =	stream.indirect.scatter.add.f32 [tilespmem:s18], [sflag:$0x3], $0x98, s28, s17, $0xb8;
	[tilespmem:$0x1F9A0] =	vst v63  }
0x5b: {  	_ =	swait.ge [sflag:s15], $0x17C0  }
0x5c: {  	[sflag:s15] =	ssyncset.done $0x0  }
0x5d: {  	s28 =	sadd.s32 $0x50, s26;
	[sflag:s15] =	ssyncadd.s32 $0xFFFFE840  }
0x5e: {  	[tilespmem:s18], [sflag:$0x1] =	stream.indirect.gather [hbm4b:s4+s17], $0x98, s28, s17, $0xb8;
	[tilespmem:$0x1F9A0] =	vst v63  }
0x5f: {  	_ =	swait.ge [sflag:s21], $0x17C0  }
.Ltmp3:
0x60: {  	[sflag:s21] =	ssyncset.done $0x0;
	(pc) =	sbr.rel @p1 .LBB2_3-.Ltmp3, $4  }
0x61: {  	s26 =	sadd.s32 $0x2738, s26;
	[sflag:s21] =	ssyncadd.s32 $0xFFFFE840  }
0x62: {  	[spmem:s2] =	stream.indirect.scatter.add.f32 [tilespmem:s19], [sflag:$0x3], $0x98, s26, s17, $0xb8;
	[tilespmem:$0x1F9A0] =	vst v63  }
0x63: {  	_ =	swait.ge [sflag:s15], $0x17C0  }
0x64: {  	s28 =	smov.u32 s31;
	s26 =	sshra.s32 s30, $0x2;
	[sflag:s15] =	ssyncset.done $0x0  }
0x65: {  	s28 =	sadd.s32 $0x28, s26;
	[sflag:s15] =	ssyncadd.s32 $0xFFFFE840  }
0x66: {  	[tilespmem:s19], [sflag:$0x2] =	stream.indirect.gather [hbm4b:s4+s17], $0x98, s28, s17, $0xb8;
	[tilespmem:$0x1F9A0] =	vst v63  }
0x67: {  	_ =	swait.ge [sflag:s20], $0x17C0  }
0x68: {  	[sflag:s20] =	ssyncset.done $0x0  }
0x69: {  	s29 =	sadd.s32 $0x2710, s26;
	[sflag:s20] =	ssyncadd.s32 $0xFFFFE840  }
0x6a: {  	[spmem:s2] =	stream.indirect.scatter.add.f32 [tilespmem:s18], [sflag:$0x3], $0x98, s29, s17, $0xb8;
	[tilespmem:$0x1F9A0] =	vst v63  }
0x6b: {  	_ =	swait.ge [sflag:s15], $0x17C0  }
0x6c: {  	[sflag:s15] =	ssyncset.done $0x0  }
0x6d: {  	s30 =	sadd.s32 $0x50, s26;
	[sflag:s15] =	ssyncadd.s32 $0xFFFFE840  }
0x6e: {  	[tilespmem:s18], [sflag:$0x1] =	stream.indirect.gather [hbm4b:s4+s17], $0x98, s30, s17, $0xb8;
	[tilespmem:$0x1F9A0] =	vst v63  }
0x6f: {  	_ =	swait.ge [sflag:s21], $0x17C0  }
0x70: {  	[sflag:s21] =	ssyncset.done $0x0  }
0x71: {  	s31 =	sadd.s32 $0x2738, s26;
	[sflag:s21] =	ssyncadd.s32 $0xFFFFE840  }
0x72: {  	[spmem:s2] =	stream.indirect.scatter.add.f32 [tilespmem:s19], [sflag:$0x3], $0x98, s31, s17, $0xb8;
	[tilespmem:$0x1F9A0] =	vst v63  }
.Ltmp4:
0x73: {  	_ = 	snop;
	(pc) =	sbr.rel .LBB2_8-.Ltmp4, $4  }
0x74: {  	_ =	swait.ge [sflag:s15], $0x17C0  }
0x75: {  	[sflag:s15] =	ssyncset.done $0x0  }
0x76: {  	s26 =	smov.u32 s7;
	[sflag:s15] =	ssyncadd.s32 $0xFFFFE840  }
0x77: {  	[tilespmem:s19], [sflag:$0x2] =	stream.indirect.gather [hbm4b:s4+s17], $0x98, s22, s17, $0xb8;
	[tilespmem:$0x1F9A0] =	vst v63  }
.LBB2_5:
0x78: {  	[tilespmem:s18], [sflag:$0x1] =	stream.indirect.gather [hbm4b:s5+s17], $0x98, s26, s17, $0xb8;
	[tilespmem:$0x1F9A0] =	vst v63  }
0x79: {  	s31 =	simm.s32 $0x28  }
0x7a: {  	[tilespmem:s19], [sflag:$0x2] =	stream.indirect.gather [hbm4b:s5+s17], $0x98, s31, s17, $0xb8;
	[tilespmem:$0x1F9A0] =	vst v63  }
0x7b: {  	_ =	swait.ge [sflag:s20], $0x17C0  }
0x7c: {  	[sflag:s20] =	ssyncset.done $0x0  }
0x7d: {  	s29 =	simm.s32 $0x2710;
	[sflag:s20] =	ssyncadd.s32 $0xFFFFE840  }
0x7e: {  	[spmem:s2] =	stream.indirect.scatter.add.f32 [tilespmem:s18], [sflag:$0x3], $0x98, s29, s17, $0xb8;
	[tilespmem:$0x1F9A0] =	vst v63  }
0x7f: {  	_ =	swait.ge [sflag:s15], $0x17C0  }
0x80: {  	[sflag:s15] =	ssyncset.done $0x0  }
0x81: {  	s30 =	simm.s32 $0x50;
	[sflag:s15] =	ssyncadd.s32 $0xFFFFE840  }
0x82: {  	[tilespmem:s18], [sflag:$0x1] =	stream.indirect.gather [hbm4b:s5+s17], $0x98, s30, s17, $0xb8;
	[tilespmem:$0x1F9A0] =	vst v63  }
0x83: {  	_ =	swait.ge [sflag:s21], $0x17C0  }
0x84: {  	[sflag:s21] =	ssyncset.done $0x0  }
0x85: {  	s31 =	simm.s32 $0x2738;
	[sflag:s21] =	ssyncadd.s32 $0xFFFFE840  }
0x86: {  	[spmem:s2] =	stream.indirect.scatter.add.f32 [tilespmem:s19], [sflag:$0x3], $0x98, s31, s17, $0xb8;
	[tilespmem:$0x1F9A0] =	vst v63  }
0x87: {  	_ =	swait.ge [sflag:s15], $0x17C0  }
0x88: {  	s28 =	simm.s32 $0x280;
	s26 =	simm.s32 $0x50;
	[sflag:s15] =	ssyncset.done $0x0  }
.LBB2_6:
0x89: {  	s29 =	sadd.s32 $0x28, s26  }
0x8a: {  	[sflag:s15] =	ssyncadd.s32 $0xFFFFE840;
	s30 =	smov.u32 s28;
	s31 =	sadd.s32 $0x140, s28  }
0x8b: {  	[tilespmem:s19], [sflag:$0x2] =	stream.indirect.gather [hbm4b:s5+s17], $0x98, s29, s17, $0xb8;
	[tilespmem:$0x1F9A0] =	vst v63  }
0x8c: {  	p1 =	sne.s32 s28, $0x99C0;
	_ =	swait.ge [sflag:s20], $0x17C0  }
0x8d: {  	[sflag:s20] =	ssyncset.done $0x0  }
0x8e: {  	s28 =	sadd.s32 $0x2710, s26;
	[sflag:s20] =	ssyncadd.s32 $0xFFFFE840  }
0x8f: {  	[spmem:s2] =	stream.indirect.scatter.add.f32 [tilespmem:s18], [sflag:$0x3], $0x98, s28, s17, $0xb8;
	[tilespmem:$0x1F9A0] =	vst v63  }
0x90: {  	_ =	swait.ge [sflag:s15], $0x17C0  }
0x91: {  	[sflag:s15] =	ssyncset.done $0x0  }
0x92: {  	s28 =	sadd.s32 $0x50, s26;
	[sflag:s15] =	ssyncadd.s32 $0xFFFFE840  }
0x93: {  	[tilespmem:s18], [sflag:$0x1] =	stream.indirect.gather [hbm4b:s5+s17], $0x98, s28, s17, $0xb8;
	[tilespmem:$0x1F9A0] =	vst v63  }
0x94: {  	_ =	swait.ge [sflag:s21], $0x17C0  }
.Ltmp5:
0x95: {  	[sflag:s21] =	ssyncset.done $0x0;
	(pc) =	sbr.rel @p1 .LBB2_6-.Ltmp5, $4  }
0x96: {  	s26 =	sadd.s32 $0x2738, s26;
	[sflag:s21] =	ssyncadd.s32 $0xFFFFE840  }
0x97: {  	[spmem:s2] =	stream.indirect.scatter.add.f32 [tilespmem:s19], [sflag:$0x3], $0x98, s26, s17, $0xb8;
	[tilespmem:$0x1F9A0] =	vst v63  }
0x98: {  	_ =	swait.ge [sflag:s15], $0x17C0  }
0x99: {  	s28 =	smov.u32 s31;
	s26 =	sshra.s32 s30, $0x2;
	[sflag:s15] =	ssyncset.done $0x0  }
.Ltmp6:
0x9a: {  	_ = 	snop;
	(pc) =	sbr.rel .LBB2_7-.Ltmp6, $1  }
0x9b: {  	_ =	sdelay $0x3  }
.LBB2_9:
0x9c: {  	_ =	sfence.sel $0x180000  }
0x9d: {  	[bflag:$0x0] =	sbarrier.arrive $0xFFFF  }
0x9e: {  	p0 =	sne.s32 s1, $0x0;
	_ =	strace $0x9000004A  }
0x9f: {  	s0 =	sadd.s32 @!p0 $0x100000, s0;
	[bflag:$0x2] =	sbarrier.arrive $0xFFFF  }
0xa0: {  	[sflag:s0] =	ssyncadd.tile.s32 @!p0 $0x1;
	_ =	shalt  }
.Lfunc_end2:
_tile_overlayer_lowered:
.L_overlay_start_2:
0xa1: {  	(tag) =	ssettag $0x2  }
0xa2: {  	s0 =	rddreg [dreg:$0x0];
	s2 =	stileid.u32  }
0xa3: {  	s1 =	rddreg [dreg:$0x1];
	p0 =	sne.s32 s2, $0x0  }
0xa4: {  	s3 =	rddreg [dreg:$0x2];
	[bflag:$0x3] =	sbarrier.arrive $0xFFFF;
	s2 =	simm.s32 @!p0 $0x1C03  }
0xa5: {  	[timem:s3], [sflag:s2] =	dma.local @!p0 [hbm:s0], s1  }
0xa6: {  	s0 =	simm.s32 @!p0 $0x3  }
0xa7: {  	_ =	swait.ge @!p0 [sflag:s0], s1  }
0xa8: {  	s1 =	ssub.s32 @!p0 $0x0, s1;
	[sflag:s0] =	ssyncset.done @!p0 $0x0  }
0xa9: {  	[sflag:s0] =	ssyncadd.s32 @!p0 s1  }
0xaa: {  	[bflag:$0x3] =	sbarrier.arrive $0xFFFF  }
0xab: {  	_ =	shalt  }

// kernel: kernel.15.cloned.1.call-start
scs
__scs_entry_jumppad:
0x0: {  	(pc) =	sbr.rel $0x88, $3  }
0x1: {  	(tag) =	ssettag $0x0;
	lr =	simm.s32 $0x1  }
0x2: {  	[smem:$0x3F8E] =	sst lr;
	_ =	strace $0xD0000000  }
0x3: {  	_ = 	snop  }
0x4: {  	_ = 	snop  }
0x5: {  	_ = 	snop  }
0x6: {  	_ = 	snop  }
0x7: {  	_ = 	snop  }
__scs_overlays_trampoline_lowered:
0x8: {  	[smem:$0x3F9D] =	sst s0  }
0x9: {  	[smem:$0x3F9E] =	sst s1  }
0xa: {  	[smem:$0x3F9F] =	sst s2  }
0xb: {  	[smem:$0x3FA0] =	sst s3  }
0xc: {  	[smem:$0x3FA1] =	sst s4  }
0xd: {  	[smem:$0x3FA2] =	sst s5  }
0xe: {  	[smem:$0x3FA3] =	sst s6  }
0xf: {  	[smem:$0x3FA4] =	sst s7  }
0x10: {  	[smem:$0x3FA5] =	sst s8  }
0x11: {  	[smem:$0x3FA6] =	sst s9;
	s0 =	simm.s32 @!p0 $0x0  }
0x12: {  	s1 =	sld [smem:$0x3F8C];
	s0 =	simm.s32 @p0 $0x1  }
0x13: {  	[smem:$0x3FA7] =	sst s0;
	s0 =	simm.s32 @!p1 $0x0  }
0x14: {  	s2 =	sld [smem:$0x3F8B];
	s0 =	simm.s32 @p1 $0x1  }
0x15: {  	[smem:$0x3FA8] =	sst s0;
	s0 =	simm.s32 @!p2 $0x0  }
0x16: {  	s3 =	sld [smem:$0x3FDB];
	s0 =	simm.s32 @p2 $0x1  }
0x17: {  	s4 =	simm.s32 $0x1BF5;
	[smem:$0x3FAA] =	sst s0  }
0x18: {  	s0 =	sld [smem:$0x3F8D];
	_ =	swait.ge [sflag:s4], $0x0  }
0x19: {  	s7 =	sld [smem:$0x3F8E]  }
0x1a: {  	s8 =	sadd.s32 $0xFFFFE003, lr  }
0x1b: {  	s9 =	sadd.s32 $0xFFFFFEF7, lr;
	s5 =	simm.s32 $0xFFFFFFFF;
	p2 =	slt.u32 s8, $0xFFFFF086  }
0x1c: {  	p1 =	slt.u32 s9, $0xF7A;
	s5 =	simm.s32 @!p2 $0x0  }
0x1d: {  	s5 =	simm.s32 @p1 $0x1;
	p0 =	seq.s32 s7, s2  }
0x1e: {  	s7 =	smul.u32 @!p0 $0xF7A, s2;
	p2 =	seq.s32 @!p0 s5, $0x0  }
0x1f: {  	s9 =	smul.u32 $0xF7A, s1;
	s8 =	simm.s32 @!p0 $0x1BF5;
	p2 =	por !p2, p0  }
0x20: {  	[sflag:s8] =	ssyncset.s32 @!p0 $0xFFFFF086;
	s6 =	sadd.s32 @!p0 s3, s7;
	s7 =	simm.s32 @!p0 $0x108  }
0x21: {  	s3 =	sadd.s32 s3, s9;
	s6 =	sadd.s32 @!p0 $0x88, s6;
	s7 =	simm.s32 @p2 $0x1082  }
0x22: {  	[simem:s7], [sflag:s8] =	dma.local @!p0 [hbm:s6], $0xF7A  }
0x23: {  	s9 =	sor.u32 $0xD0000000, s2;
	s6 =	simm.s32 $0x108;
	_ =	swait.ge @!p0 [sflag:s8], $0x0  }
0x24: {  	s3 =	sadd.s32 $0x88, s3;
	s6 =	simm.s32 @!p1 $0x1082;
	[sflag:s4] =	ssyncset.s32 $0xFFFFF086  }
0x25: {  	[simem:s6], [sflag:s4] =	dma.local [hbm:s3], $0xF7A  }
0x26: {  	[smem:$0x3F8E] =	sst s1;
	(tag) =	ssettag s2;
	_ =	strace s9  }
0x27: {  	s1 =	sld [smem:$0x3F9E]  }
0x28: {  	s2 =	sld [smem:$0x3F9F]  }
0x29: {  	s4 =	sld [smem:$0x3FA1]  }
0x2a: {  	p0 =	seq.s32 s5, $0x0;
	s5 =	sld [smem:$0x3FA2]  }
0x2b: {  	s6 =	sld [smem:$0x3FA3]  }
0x2c: {  	s7 =	sld [smem:$0x3FA4]  }
0x2d: {  	s3 =	simm.s32 $0x108;
	s8 =	sld [smem:$0x3FA5]  }
0x2e: {  	s3 =	simm.s32 @!p0 $0x1082;
	s9 =	sld [smem:$0x3FA6]  }
0x2f: {  	lr =	sadd.s32 s0, s3;
	s0 =	sld [smem:$0x3F9D]  }
0x30: {  	s3 =	sld [smem:$0x3FA0]  }
0x31: {  	[smem:$0x3FA9] =	sst s10  }
0x32: {  	s10 =	sld [smem:$0x3FA7];
	_ =	sdelay $0x3  }
0x33: {  	p0 =	seq.s32 s10, $0x1;
	s10 =	sld [smem:$0x3FA9];
	_ =	sdelay $0x3  }
0x34: {  	[smem:$0x3FA9] =	sst s10  }
0x35: {  	s10 =	sld [smem:$0x3FA8];
	_ =	sdelay $0x3  }
0x36: {  	p1 =	seq.s32 s10, $0x1;
	s10 =	sld [smem:$0x3FA9];
	_ =	sdelay $0x3  }
0x37: {  	[smem:$0x3FA9] =	sst s10  }
0x38: {  	s10 =	sld [smem:$0x3FAA]  }
0x39: {  	_ = 	snop;
	(pc) =	sbr.ind lr, $3  }
0x3a: {  	_ = 	snop  }
0x3b: {  	_ = 	snop  }
0x3c: {  	p2 =	seq.s32 s10, $0x1;
	s10 =	sld [smem:$0x3FA9]  }
0x3d: {  	_ =	shalt  }
0x3e: {  	_ =	shalt  }
0x3f: {  	_ =	shalt  }
0x40: {  	_ =	shalt  }
0x41: {  	_ =	shalt  }
0x42: {  	_ =	shalt  }
0x43: {  	_ =	shalt  }
0x44: {  	_ =	shalt  }
0x45: {  	_ =	shalt  }
0x46: {  	_ =	shalt  }
0x47: {  	_ =	shalt  }
0x48: {  	_ =	shalt  }
0x49: {  	_ =	shalt  }
0x4a: {  	_ =	shalt  }
0x4b: {  	_ =	shalt  }
0x4c: {  	_ =	shalt  }
0x4d: {  	_ =	shalt  }
0x4e: {  	_ =	shalt  }
0x4f: {  	_ =	shalt  }
0x50: {  	_ =	shalt  }
0x51: {  	_ =	shalt  }
0x52: {  	_ =	shalt  }
0x53: {  	_ =	shalt  }
0x54: {  	_ =	shalt  }
0x55: {  	_ =	shalt  }
0x56: {  	_ =	shalt  }
0x57: {  	_ =	shalt  }
0x58: {  	_ =	shalt  }
0x59: {  	_ =	shalt  }
0x5a: {  	_ =	shalt  }
0x5b: {  	_ =	shalt  }
0x5c: {  	_ =	shalt  }
0x5d: {  	_ =	shalt  }
0x5e: {  	_ =	shalt  }
0x5f: {  	_ =	shalt  }
0x60: {  	_ =	shalt  }
0x61: {  	_ =	shalt  }
0x62: {  	_ =	shalt  }
0x63: {  	_ =	shalt  }
0x64: {  	_ =	shalt  }
0x65: {  	_ =	shalt  }
0x66: {  	_ =	shalt  }
0x67: {  	_ =	shalt  }
0x68: {  	_ =	shalt  }
0x69: {  	_ =	shalt  }
0x6a: {  	_ =	shalt  }
0x6b: {  	_ =	shalt  }
0x6c: {  	_ =	shalt  }
0x6d: {  	_ =	shalt  }
0x6e: {  	_ =	shalt  }
0x6f: {  	_ =	shalt  }
0x70: {  	_ =	shalt  }
0x71: {  	_ =	shalt  }
0x72: {  	_ =	shalt  }
0x73: {  	_ =	shalt  }
0x74: {  	_ =	shalt  }
0x75: {  	_ =	shalt  }
0x76: {  	_ =	shalt  }
0x77: {  	_ =	shalt  }
0x78: {  	_ =	shalt  }
0x79: {  	_ =	shalt  }
0x7a: {  	_ =	shalt  }
0x7b: {  	_ =	shalt  }
0x7c: {  	_ =	shalt  }
0x7d: {  	_ =	shalt  }
0x7e: {  	_ =	shalt  }
0x7f: {  	_ =	shalt  }
0x80: {  	_ =	shalt  }
0x81: {  	_ =	shalt  }
0x82: {  	_ =	shalt  }
0x83: {  	_ =	shalt  }
0x84: {  	_ =	shalt  }
0x85: {  	_ =	shalt  }
0x86: {  	_ =	shalt  }
0x87: {  	_ =	shalt  }
.Lfunc_end0:
.L_simem_size_0:
called_computation.2_lowered:
.L_overlay_start_0:
0x88: {  	s2 =	sld [smem:$0x3FD9]  }
0x89: {  	s3 =	sld [smem:$0x3FFE];
	_ =	sdelay $0x1  }
0x8a: {  	s1 =	srdreg.scid  }
0x8b: {  	s0 =	sand.u32 $0x1, s1  }
0x8c: {  	s16 =	sshll.u32 s0, $0xA;
	s2 =	sadd.s32 s3, s2  }
0x8d: {  	s2 =	sadd.s32 s2, s16  }
0x8e: {  	[smem:$0x3FB5] =	sst s2  }
0x8f: {  	_ = 	snop  }
0x90: {  	(tm) =	ssettm $0x1  }
0x91: {  	s17 =	sld [smem:$0x3FFB];
	_ =	sdelay $0x3  }
0x92: {  	_ =	strace s17  }
0x93: {  	s2 =	sld [smem:$0x3FFC];
	_ =	sdelay $0x3  }
0x94: {  	_ =	strace s2  }
0x95: {  	s2 =	sld [smem:$0x3FFD];
	_ =	sdelay $0x3  }
0x96: {  	_ =	strace s2  }
0x97: {  	_ =	strace $0x8FFFFFFF  }
0x98: {  	s18 =	sld [smem:$0x3FDB];
	_ =	sdelay $0x1  }
0x99: {  	s19 =	simm.s32 $_scs_section_size  }
0x9a: {  	s4 =	simm.s32 $_size__tile_overlayer_lowered;
	s5 =	simm.s32 $_tile_overlayer_lowered  }
0x9b: {  	s22 =	simm.s32 $0x1BFF;
	s21 =	sshll.u32 s5, $0x1;
	s2 =	sadd.s32 s19, s18  }
0x9c: {  	s6 =	simm.s32 $0x0;
	s20 =	sshll.u32 s4, $0x1;
	s4 =	sadd.s32 s21, s2  }
0x9d: {  	[timem:s6], [sflag:s22] =	dma.local [hbm:s4], s20  }
0x9e: {  	_ =	swait.ge [sflag:s22], s20  }
0x9f: {  	s3 =	ssub.s32 $0x0, s20;
	[sflag:s22] =	ssyncset.done $0x0  }
0xa0: {  	[sflag:s22] =	ssyncadd.s32 s3;
	_ =	sdelay $0x1  }
0xa1: {  	s23 =	simm.s32 $0x1B8B  }
0xa2: {  	_ =	swait.ge [sflag:s23], $0x1  }
0xa3: {  	[sflag:s23] =	ssyncset.done $0x0  }
0xa4: {  	s25 =	simm.s32 $0x1B8E;
	s24 =	sld [smem:$0x3FFE];
	[sflag:s23] =	ssyncadd.s32 $0xFFFFFFFF  }
0xa5: {  	s26 =	simm.s32 $execute0_lowered;
	[smem:$0x3FD2] =	sst s25  }
0xa6: {  	s4 =	sshll.u32 s26, $0x1;
	_ =	strace $0x8000004C;
	[dreg:$0x1] =	wrdreg $0xFFFFFFFF  }
0xa7: {  	s28 =	simm.s32 $_size_execute0_lowered;
	s2 =	sadd.s32 s2, s4;
	[dreg:$0x0] =	wrdreg $0x0  }
0xa8: {  	s4 =	sshll.u32 s28, $0x1;
	[dreg:$0x2] =	wrdreg s2  }
0xa9: {  	[dreg:$0x3] =	wrdreg s4  }
0xaa: {  	[dreg:$0x4] =	wrdreg $0xC0  }
0xab: {  	_ =	task [dreg:s6], $0x5FFFF  }
0xac: {  	[dreg:$0x1] =	wrdreg $0xFFFFFFFF  }
0xad: {  	[dreg:$0x0] =	wrdreg $0x60  }
0xae: {  	[dreg:$0x2] =	wrdreg s24  }
0xaf: {  	[dreg:$0x3] =	wrdreg $0x7DA00  }
0xb0: {  	[dreg:$0x4] =	wrdreg $0x9  }
0xb1: {  	_ =	task.clear_ibuf [dreg:s6], $0x5FFFF;
	_ =	strace $0x9000004C  }
0xb2: {  	s29 =	simm.s32 $0x9;
	_ =	strace $0x8000004E  }
0xb3: {  	_ =	swait.ge [sflag:s29], $0x1  }
0xb4: {  	[sflag:s29] =	ssyncadd.s32 $0xFFFFFFFF  }
0xb5: {  	_ =	strace $0x9000004E  }
0xb6: {  	_ =	sfence  }
0xb7: {  	s30 =	sld [smem:$0x0];
	_ =	sdelay $0x2  }
0xb8: {  	s31 =	sshll.u32 s1, $0xD;
	s1 =	sshrl.u32 s1, $0x2  }
0xb9: {  	s3 =	sand.u32 $0x4000, s31;
	s1 =	sadd.s32 s1, s30  }
0xba: {  	s0 =	sor.u32 s3, s0;
	s1 =	sshll.u32 s1, $0x11  }
0xbb: {  	s0 =	sor.u32 s1, s0  }
0xbc: {  	s0 =	sadd.s32 $0x8F2B, s0  }
0xbd: {  	[sflag:s0] =	ssyncadd.remote.s32 $0x1  }
0xbe: {  	_ =	sfence.sel $0xFFFF  }
0xbf: {  	[dreg:$0x0] =	wrdreg $0xFFFFFFFF;
	(pc) =	sbr.abs _section_cstart, $3  }
0xc0: {  	[dreg:$0x1] =	wrdreg $0xFFFFFFFF  }
0xc1: {  	_ =	task.clear_ibuf [dreg:s6], $0x2FFFF;
	_ =	strace $0x9FFFFFFF  }
0xc2: {  	(tm) =	ssettm $0x7FFFFFFF  }
0xc3: {  	_ =	shalt  }
tec
execute0_lowered:
.L_overlay_start_1:
0x0: {  	(tag) =	ssettag $0x1  }
0x1: {  	s8 =	rddreg [dreg:$0x0]  }
0x2: {  	s2 =	rddreg [dreg:$0x1]  }
0x3: {  	s0 =	rddreg [dreg:$0x2];
	s3 =	simm.s32 $0x0;
	s1 =	stileid.u32  }
0x4: {  	s7 =	srdreg.scid;
	s16 =	simm.s32 $0x2710;
	s17 =	simm.s32 $0x28  }
0x5: {  	s18 =	simm.s32 $0x4E20;
	s19 =	simm.s32 $0x65E0;
	s20 =	simm.s32 $0x1  }
0x6: {  	s21 =	simm.s32 $0x2;
	s22 =	simm.s32 $0x26E8;
	s23 =	simm.s32 $0x4DD0  }
0x7: {  	s24 =	simm.s32 $0x4DF8;
	s25 =	simm.s32 $0x0;
	[smem:$0x7FF] =	sst s3  }
0x8: {  	s6 =	smul.u32 $0x4E2, s1;
	s4 =	sadd.s32 $0x40600, s8;
	s5 =	sadd.s32 $0x4E00, s8  }
0x9: {  	s14 =	sand.u32 $0x1, s7;
	s12 =	smul.u32 $0x17C00, s1;
	s7 =	sadd.s32 $0x9E600, s8  }
0xa: {  	s31 =	sshll.u32 s1, $0x6;
	_ =	strace $0x8000004D;
	s9 =	ssub.s32 $0x2, s14  }
.Ltmp0:
0xb: {  	p0 =	sne.s32 s14, $0x0;
	s11 =	sadd.s32 s6, s8;
	(pc) =	sbr.rel .LBB2_1-.Ltmp0, $4  }
0xc: {  	s6 =	sadd.s32 $0x3D600, s8;
	s8 =	sadd.s32 $0x6EE00, s8;
	s10 =	sshrl.u32 s9, $0x1  }
0xd: {  	s15 =	sadd.s32 s12, s2;
	s12 =	sshrl.u32 s12, $0x3;
	s13 =	ssub.s32 s9, s10  }
0xe: {  	s9 =	sor.u32 $0x1C03, s31;
	s10 =	sadd.s32 $0x38600, s11;
	s11 =	sadd.s32 $0x33600, s11  }
0xf: {  	s14 =	sshrl.u32 s15, $0x3;
	s15 =	simm.s32 $0x3;
	s13 =	smax.u32 s13, $0x1  }
.LBB2_7:
0x10: {  	s28 =	sadd.s32 $0x28, s26;
	[sflag:s15] =	ssyncadd.s32 $0xFFFFE840  }
0x11: {  	[tilespmem:s19], [sflag:$0x2] =	stream.indirect.gather [hbm4b:s5+s17], $0x98, s28, s17, $0xb8;
	[tilespmem:$0x1F9A0] =	vst v63  }
0x12: {  	_ =	swait.ge [sflag:s20], $0x17C0  }
0x13: {  	[sflag:s20] =	ssyncset.done $0x0  }
0x14: {  	s29 =	sadd.s32 $0x2710, s26;
	[sflag:s20] =	ssyncadd.s32 $0xFFFFE840  }
0x15: {  	[spmem:s2] =	stream.indirect.scatter.add.f32 [tilespmem:s18], [sflag:$0x3], $0x98, s29, s17, $0xb8;
	[tilespmem:$0x1F9A0] =	vst v63  }
0x16: {  	_ =	swait.ge [sflag:s15], $0x17C0  }
0x17: {  	[sflag:s15] =	ssyncset.done $0x0  }
0x18: {  	s30 =	sadd.s32 $0x50, s26;
	[sflag:s15] =	ssyncadd.s32 $0xFFFFE840  }
0x19: {  	[tilespmem:s18], [sflag:$0x1] =	stream.indirect.gather [hbm4b:s5+s17], $0x98, s30, s17, $0xb8;
	[tilespmem:$0x1F9A0] =	vst v63  }
0x1a: {  	_ =	swait.ge [sflag:s21], $0x17C0  }
0x1b: {  	[sflag:s21] =	ssyncset.done $0x0  }
0x1c: {  	s31 =	sadd.s32 $0x2738, s26;
	[sflag:s21] =	ssyncadd.s32 $0xFFFFE840  }
0x1d: {  	[spmem:s2] =	stream.indirect.scatter.add.f32 [tilespmem:s19], [sflag:$0x3], $0x98, s31, s17, $0xb8;
	[tilespmem:$0x1F9A0] =	vst v63  }
0x1e: {  	_ =	swait.ge [sflag:s15], $0x17C0  }
0x1f: {  	[sflag:s15] =	ssyncset.done $0x0  }
0x20: {  	s26 =	smov.u32 s8;
	[sflag:s15] =	ssyncadd.s32 $0xFFFFE840  }
0x21: {  	[tilespmem:s19], [sflag:$0x2] =	stream.indirect.gather [hbm4b:s5+s17], $0x98, s22, s17, $0xb8;
	[tilespmem:$0x1F9A0] =	vst v63  }
.LBB2_8:
0x22: {  	_ =	swait.ge [sflag:s20], $0x17C0  }
0x23: {  	[sflag:s20] =	ssyncset.done $0x0  }
0x24: {  	[sflag:s20] =	ssyncadd.s32 $0xFFFFE840  }
0x25: {  	[spmem:s2] =	stream.indirect.scatter.add.f32 [tilespmem:s18], [sflag:$0x3], $0x98, s23, s17, $0xb8;
	[tilespmem:$0x1F9A0] =	vst v63  }
0x26: {  	_ =	swait.ge [sflag:s15], $0x17C0  }
0x27: {  	[sflag:s15] =	ssyncset.done $0x0  }
0x28: {  	[sflag:s15] =	ssyncadd.s32 $0xFFFFE840  }
0x29: {  	_ =	swait.ge [sflag:s21], $0x17C0  }
0x2a: {  	[sflag:s21] =	ssyncset.done $0x0  }
0x2b: {  	[sflag:s21] =	ssyncadd.s32 $0xFFFFE840  }
0x2c: {  	[spmem:s2] =	stream.indirect.scatter.add.f32 [tilespmem:s19], [sflag:$0x3], $0x98, s24, s17, $0xb8;
	[tilespmem:$0x1F9A0] =	vst v63  }
0x2d: {  	_ =	swait.ge [sflag:s15], $0x17C0  }
0x2e: {  	s25 =	sadd.s32 $0x1, s25;
	[sflag:s15] =	ssyncset.done $0x0  }
0x2f: {  	p1 =	sne.s32 s25, s13;
	[sflag:s15] =	ssyncadd.s32 $0xFFFFE840  }
.Ltmp1:
0x30: {  	s26 =	sadd.s32 s26, s12;
	[bflag:$0x0] =	sbarrier.arrive $0xFFFF;
	(pc) =	sbr.rel @!p1 .LBB2_9-.Ltmp1, $4  }
0x31: {  	[hbm:s26], [sflag:s9] =	dma.local [spmem:s14], $0x2F80  }
0x32: {  	_ =	swait.ge [sflag:s15], $0x2F80  }
0x33: {  	[sflag:s15] =	ssyncset.done $0x0  }
0x34: {  	[sflag:s15] =	ssyncadd.s32 $0xFFFFD080  }
.LBB2_1:
0x35: {  	[spmem:s14], [sflag:s9] =	dma.local [hbm:s6], $0x2F80  }
0x36: {  	_ =	swait.ge [sflag:s15], $0x2F80  }
0x37: {  	[sflag:s15] =	ssyncset.done $0x0  }
0x38: {  	[sflag:s15] =	ssyncadd.s32 $0xFFFFD080  }
0x39: {  	[tilespmem:s3], [sflag:$0x3] =	stream.linear.gather [hbm4b:s10+s3], $0x2710, $0x38;
	[tilespmem:$0x1F9A0] =	vst v63  }
0x3a: {  	_ =	swait.ge [sflag:s15], $0x2710  }
0x3b: {  	[sflag:s15] =	ssyncset.done $0x0  }
0x3c: {  	[sflag:s15] =	ssyncadd.s32 $0xFFFFD8F0  }
0x3d: {  	[tilespmem:s16], [sflag:$0x3] =	stream.linear.gather [hbm4b:s11+s3], $0x2710, $0x38;
	[tilespmem:$0x1F9A0] =	vst v63  }
.Ltmp2:
0x3e: {  	_ =	swait.ge [sflag:s15], $0x2710;
	(pc) =	sbr.rel @p0 .LBB2_5-.Ltmp2, $4  }
0x3f: {  	[sflag:s15] =	ssyncset.done $0x0  }
0x40: {  	[sflag:s15] =	ssyncadd.s32 $0xFFFFD8F0  }
0x41: {  	[bflag:$0x0] =	sbarrier.arrive $0xFFFF  }
0x42: {  	s26 =	simm.s32 $0x0  }
0x43: {  	[tilespmem:s18], [sflag:$0x1] =	stream.indirect.gather [hbm4b:s4+s17], $0x98, s26, s17, $0xb8;
	[tilespmem:$0x1F9A0] =	vst v63  }
0x44: {  	s31 =	simm.s32 $0x28  }
0x45: {  	[tilespmem:s19], [sflag:$0x2] =	stream.indirect.gather [hbm4b:s4+s17], $0x98, s31, s17, $0xb8;
	[tilespmem:$0x1F9A0] =	vst v63  }
0x46: {  	_ =	swait.ge [sflag:s20], $0x17C0  }
0x47: {  	[sflag:s20] =	ssyncset.done $0x0  }
0x48: {  	s29 =	simm.s32 $0x2710;
	[sflag:s20] =	ssyncadd.s32 $0xFFFFE840  }
0x49: {  	[spmem:s2] =	stream.indirect.scatter.add.f32 [tilespmem:s18], [sflag:$0x3], $0x98, s29, s17, $0xb8;
	[tilespmem:$0x1F9A0] =	vst v63  }
0x4a: {  	_ =	swait.ge [sflag:s15], $0x17C0  }
0x4b: {  	[sflag:s15] =	ssyncset.done $0x0  }
0x4c: {  	s30 =	simm.s32 $0x50;
	[sflag:s15] =	ssyncadd.s32 $0xFFFFE840  }
0x4d: {  	[tilespmem:s18], [sflag:$0x1] =	stream.indirect.gather [hbm4b:s4+s17], $0x98, s30, s17, $0xb8;
	[tilespmem:$0x1F9A0] =	vst v63  }
0x4e: {  	_ =	swait.ge [sflag:s21], $0x17C0  }
0x4f: {  	[sflag:s21] =	ssyncset.done $0x0  }
0x50: {  	s31 =	simm.s32 $0x2738;
	[sflag:s21] =	ssyncadd.s32 $0xFFFFE840  }
0x51: {  	[spmem:s2] =	stream.indirect.scatter.add.f32 [tilespmem:s19], [sflag:$0x3], $0x98, s31, s17, $0xb8;
	[tilespmem:$0x1F9A0] =	vst v63  }
0x52: {  	_ =	swait.ge [sflag:s15], $0x17C0  }
0x53: {  	s28 =	simm.s32 $0x280;
	s26 =	simm.s32 $0x50;
	[sflag:s15] =	ssyncset.done $0x0  }
.LBB2_3:
0x54: {  	s29 =	sadd.s32 $0x28, s26  }
0x55: {  	[sflag:s15] =	ssyncadd.s32 $0xFFFFE840;
	s30 =	smov.u32 s28;
	s31 =	sadd.s32 $0x140, s28  }
0x56: {  	[tilespmem:s19], [sflag:$0x2] =	stream.indirect.gather [hbm4b:s4+s17], $0x98, s29, s17, $0xb8;
	[tilespmem:$0x1F9A0] =	vst v63  }
0x57: {  	p1 =	sne.s32 s28, $0x99C0;
	_ =	swait.ge [sflag:s20], $0x17C0  }
0x58: {  	[sflag:s20] =	ssyncset.done $0x0  }
0x59: {  	s28 =	sadd.s32 $0x2710, s26;
	[sflag:s20] =	ssyncadd.s32 $0xFFFFE840  }
0x5a: {  	[spmem:s2] =	stream.indirect.scatter.add.f32 [tilespmem:s18], [sflag:$0x3], $0x98, s28, s17, $0xb8;
	[tilespmem:$0x1F9A0] =	vst v63  }
0x5b: {  	_ =	swait.ge [sflag:s15], $0x17C0  }
0x5c: {  	[sflag:s15] =	ssyncset.done $0x0  }
0x5d: {  	s28 =	sadd.s32 $0x50, s26;
	[sflag:s15] =	ssyncadd.s32 $0xFFFFE840  }
0x5e: {  	[tilespmem:s18], [sflag:$0x1] =	stream.indirect.gather [hbm4b:s4+s17], $0x98, s28, s17, $0xb8;
	[tilespmem:$0x1F9A0] =	vst v63  }
0x5f: {  	_ =	swait.ge [sflag:s21], $0x17C0  }
.Ltmp3:
0x60: {  	[sflag:s21] =	ssyncset.done $0x0;
	(pc) =	sbr.rel @p1 .LBB2_3-.Ltmp3, $4  }
0x61: {  	s26 =	sadd.s32 $0x2738, s26;
	[sflag:s21] =	ssyncadd.s32 $0xFFFFE840  }
0x62: {  	[spmem:s2] =	stream.indirect.scatter.add.f32 [tilespmem:s19], [sflag:$0x3], $0x98, s26, s17, $0xb8;
	[tilespmem:$0x1F9A0] =	vst v63  }
0x63: {  	_ =	swait.ge [sflag:s15], $0x17C0  }
0x64: {  	s28 =	smov.u32 s31;
	s26 =	sshra.s32 s30, $0x2;
	[sflag:s15] =	ssyncset.done $0x0  }
0x65: {  	s28 =	sadd.s32 $0x28, s26;
	[sflag:s15] =	ssyncadd.s32 $0xFFFFE840  }
0x66: {  	[tilespmem:s19], [sflag:$0x2] =	stream.indirect.gather [hbm4b:s4+s17], $0x98, s28, s17, $0xb8;
	[tilespmem:$0x1F9A0] =	vst v63  }
0x67: {  	_ =	swait.ge [sflag:s20], $0x17C0  }
0x68: {  	[sflag:s20] =	ssyncset.done $0x0  }
0x69: {  	s29 =	sadd.s32 $0x2710, s26;
	[sflag:s20] =	ssyncadd.s32 $0xFFFFE840  }
0x6a: {  	[spmem:s2] =	stream.indirect.scatter.add.f32 [tilespmem:s18], [sflag:$0x3], $0x98, s29, s17, $0xb8;
	[tilespmem:$0x1F9A0] =	vst v63  }
0x6b: {  	_ =	swait.ge [sflag:s15], $0x17C0  }
0x6c: {  	[sflag:s15] =	ssyncset.done $0x0  }
0x6d: {  	s30 =	sadd.s32 $0x50, s26;
	[sflag:s15] =	ssyncadd.s32 $0xFFFFE840  }
0x6e: {  	[tilespmem:s18], [sflag:$0x1] =	stream.indirect.gather [hbm4b:s4+s17], $0x98, s30, s17, $0xb8;
	[tilespmem:$0x1F9A0] =	vst v63  }
0x6f: {  	_ =	swait.ge [sflag:s21], $0x17C0  }
0x70: {  	[sflag:s21] =	ssyncset.done $0x0  }
0x71: {  	s31 =	sadd.s32 $0x2738, s26;
	[sflag:s21] =	ssyncadd.s32 $0xFFFFE840  }
0x72: {  	[spmem:s2] =	stream.indirect.scatter.add.f32 [tilespmem:s19], [sflag:$0x3], $0x98, s31, s17, $0xb8;
	[tilespmem:$0x1F9A0] =	vst v63  }
.Ltmp4:
0x73: {  	_ = 	snop;
	(pc) =	sbr.rel .LBB2_8-.Ltmp4, $4  }
0x74: {  	_ =	swait.ge [sflag:s15], $0x17C0  }
0x75: {  	[sflag:s15] =	ssyncset.done $0x0  }
0x76: {  	s26 =	smov.u32 s7;
	[sflag:s15] =	ssyncadd.s32 $0xFFFFE840  }
0x77: {  	[tilespmem:s19], [sflag:$0x2] =	stream.indirect.gather [hbm4b:s4+s17], $0x98, s22, s17, $0xb8;
	[tilespmem:$0x1F9A0] =	vst v63  }
.LBB2_5:
0x78: {  	[tilespmem:s18], [sflag:$0x1] =	stream.indirect.gather [hbm4b:s5+s17], $0x98, s26, s17, $0xb8;
	[tilespmem:$0x1F9A0] =	vst v63  }
0x79: {  	s31 =	simm.s32 $0x28  }
0x7a: {  	[tilespmem:s19], [sflag:$0x2] =	stream.indirect.gather [hbm4b:s5+s17], $0x98, s31, s17, $0xb8;
	[tilespmem:$0x1F9A0] =	vst v63  }
0x7b: {  	_ =	swait.ge [sflag:s20], $0x17C0  }
0x7c: {  	[sflag:s20] =	ssyncset.done $0x0  }
0x7d: {  	s29 =	simm.s32 $0x2710;
	[sflag:s20] =	ssyncadd.s32 $0xFFFFE840  }
0x7e: {  	[spmem:s2] =	stream.indirect.scatter.add.f32 [tilespmem:s18], [sflag:$0x3], $0x98, s29, s17, $0xb8;
	[tilespmem:$0x1F9A0] =	vst v63  }
0x7f: {  	_ =	swait.ge [sflag:s15], $0x17C0  }
0x80: {  	[sflag:s15] =	ssyncset.done $0x0  }
0x81: {  	s30 =	simm.s32 $0x50;
	[sflag:s15] =	ssyncadd.s32 $0xFFFFE840  }
0x82: {  	[tilespmem:s18], [sflag:$0x1] =	stream.indirect.gather [hbm4b:s5+s17], $0x98, s30, s17, $0xb8;
	[tilespmem:$0x1F9A0] =	vst v63  }
0x83: {  	_ =	swait.ge [sflag:s21], $0x17C0  }
0x84: {  	[sflag:s21] =	ssyncset.done $0x0  }
0x85: {  	s31 =	simm.s32 $0x2738;
	[sflag:s21] =	ssyncadd.s32 $0xFFFFE840  }
0x86: {  	[spmem:s2] =	stream.indirect.scatter.add.f32 [tilespmem:s19], [sflag:$0x3], $0x98, s31, s17, $0xb8;
	[tilespmem:$0x1F9A0] =	vst v63  }
0x87: {  	_ =	swait.ge [sflag:s15], $0x17C0  }
0x88: {  	s28 =	simm.s32 $0x280;
	s26 =	simm.s32 $0x50;
	[sflag:s15] =	ssyncset.done $0x0  }
.LBB2_6:
0x89: {  	s29 =	sadd.s32 $0x28, s26  }
0x8a: {  	[sflag:s15] =	ssyncadd.s32 $0xFFFFE840;
	s30 =	smov.u32 s28;
	s31 =	sadd.s32 $0x140, s28  }
0x8b: {  	[tilespmem:s19], [sflag:$0x2] =	stream.indirect.gather [hbm4b:s5+s17], $0x98, s29, s17, $0xb8;
	[tilespmem:$0x1F9A0] =	vst v63  }
0x8c: {  	p1 =	sne.s32 s28, $0x99C0;
	_ =	swait.ge [sflag:s20], $0x17C0  }
0x8d: {  	[sflag:s20] =	ssyncset.done $0x0  }
0x8e: {  	s28 =	sadd.s32 $0x2710, s26;
	[sflag:s20] =	ssyncadd.s32 $0xFFFFE840  }
0x8f: {  	[spmem:s2] =	stream.indirect.scatter.add.f32 [tilespmem:s18], [sflag:$0x3], $0x98, s28, s17, $0xb8;
	[tilespmem:$0x1F9A0] =	vst v63  }
0x90: {  	_ =	swait.ge [sflag:s15], $0x17C0  }
0x91: {  	[sflag:s15] =	ssyncset.done $0x0  }
0x92: {  	s28 =	sadd.s32 $0x50, s26;
	[sflag:s15] =	ssyncadd.s32 $0xFFFFE840  }
0x93: {  	[tilespmem:s18], [sflag:$0x1] =	stream.indirect.gather [hbm4b:s5+s17], $0x98, s28, s17, $0xb8;
	[tilespmem:$0x1F9A0] =	vst v63  }
0x94: {  	_ =	swait.ge [sflag:s21], $0x17C0  }
.Ltmp5:
0x95: {  	[sflag:s21] =	ssyncset.done $0x0;
	(pc) =	sbr.rel @p1 .LBB2_6-.Ltmp5, $4  }
0x96: {  	s26 =	sadd.s32 $0x2738, s26;
	[sflag:s21] =	ssyncadd.s32 $0xFFFFE840  }
0x97: {  	[spmem:s2] =	stream.indirect.scatter.add.f32 [tilespmem:s19], [sflag:$0x3], $0x98, s26, s17, $0xb8;
	[tilespmem:$0x1F9A0] =	vst v63  }
0x98: {  	_ =	swait.ge [sflag:s15], $0x17C0  }
0x99: {  	s28 =	smov.u32 s31;
	s26 =	sshra.s32 s30, $0x2;
	[sflag:s15] =	ssyncset.done $0x0  }
.Ltmp6:
0x9a: {  	_ = 	snop;
	(pc) =	sbr.rel .LBB2_7-.Ltmp6, $1  }
0x9b: {  	_ =	sdelay $0x3  }
.LBB2_9:
0x9c: {  	_ =	sfence.sel $0x180000  }
0x9d: {  	[bflag:$0x0] =	sbarrier.arrive $0xFFFF  }
0x9e: {  	p0 =	sne.s32 s1, $0x0;
	_ =	strace $0x9000004D  }
0x9f: {  	s0 =	sadd.s32 @!p0 $0x100000, s0;
	[bflag:$0x2] =	sbarrier.arrive $0xFFFF  }
0xa0: {  	[sflag:s0] =	ssyncadd.tile.s32 @!p0 $0x1;
	_ =	shalt  }
.Lfunc_end2:
_tile_overlayer_lowered:
.L_overlay_start_2:
0xa1: {  	(tag) =	ssettag $0x2  }
0xa2: {  	s0 =	rddreg [dreg:$0x0];
	s2 =	stileid.u32  }
0xa3: {  	s1 =	rddreg [dreg:$0x1];
	p0 =	sne.s32 s2, $0x0  }
0xa4: {  	s3 =	rddreg [dreg:$0x2];
	[bflag:$0x3] =	sbarrier.arrive $0xFFFF;
	s2 =	simm.s32 @!p0 $0x1C03  }
0xa5: {  	[timem:s3], [sflag:s2] =	dma.local @!p0 [hbm:s0], s1  }
0xa6: {  	s0 =	simm.s32 @!p0 $0x3  }
0xa7: {  	_ =	swait.ge @!p0 [sflag:s0], s1  }
0xa8: {  	s1 =	ssub.s32 @!p0 $0x0, s1;
	[sflag:s0] =	ssyncset.done @!p0 $0x0  }
0xa9: {  	[sflag:s0] =	ssyncadd.s32 @!p0 s1  }
0xaa: {  	[bflag:$0x3] =	sbarrier.arrive $0xFFFF  }
0xab: {  	_ =	shalt  }

// kernel: kernel.9.cloned.1.call-start
scs
__scs_entry_jumppad:
0x0: {  	(pc) =	sbr.rel $0x88, $3  }
0x1: {  	(tag) =	ssettag $0x0;
	lr =	simm.s32 $0x1  }
0x2: {  	[smem:$0x3F8E] =	sst lr;
	_ =	strace $0xD0000000  }
0x3: {  	_ = 	snop  }
0x4: {  	_ = 	snop  }
0x5: {  	_ = 	snop  }
0x6: {  	_ = 	snop  }
0x7: {  	_ = 	snop  }
__scs_overlays_trampoline_lowered:
0x8: {  	[smem:$0x3F9D] =	sst s0  }
0x9: {  	[smem:$0x3F9E] =	sst s1  }
0xa: {  	[smem:$0x3F9F] =	sst s2  }
0xb: {  	[smem:$0x3FA0] =	sst s3  }
0xc: {  	[smem:$0x3FA1] =	sst s4  }
0xd: {  	[smem:$0x3FA2] =	sst s5  }
0xe: {  	[smem:$0x3FA3] =	sst s6  }
0xf: {  	[smem:$0x3FA4] =	sst s7  }
0x10: {  	[smem:$0x3FA5] =	sst s8  }
0x11: {  	[smem:$0x3FA6] =	sst s9;
	s0 =	simm.s32 @!p0 $0x0  }
0x12: {  	s1 =	sld [smem:$0x3F8C];
	s0 =	simm.s32 @p0 $0x1  }
0x13: {  	[smem:$0x3FA7] =	sst s0;
	s0 =	simm.s32 @!p1 $0x0  }
0x14: {  	s2 =	sld [smem:$0x3F8B];
	s0 =	simm.s32 @p1 $0x1  }
0x15: {  	[smem:$0x3FA8] =	sst s0;
	s0 =	simm.s32 @!p2 $0x0  }
0x16: {  	s3 =	sld [smem:$0x3FDB];
	s0 =	simm.s32 @p2 $0x1  }
0x17: {  	s4 =	simm.s32 $0x1BF5;
	[smem:$0x3FAA] =	sst s0  }
0x18: {  	s0 =	sld [smem:$0x3F8D];
	_ =	swait.ge [sflag:s4], $0x0  }
0x19: {  	s7 =	sld [smem:$0x3F8E]  }
0x1a: {  	s8 =	sadd.s32 $0xFFFFE003, lr  }
0x1b: {  	s9 =	sadd.s32 $0xFFFFFEF7, lr;
	s5 =	simm.s32 $0xFFFFFFFF;
	p2 =	slt.u32 s8, $0xFFFFF086  }
0x1c: {  	p1 =	slt.u32 s9, $0xF7A;
	s5 =	simm.s32 @!p2 $0x0  }
0x1d: {  	s5 =	simm.s32 @p1 $0x1;
	p0 =	seq.s32 s7, s2  }
0x1e: {  	s7 =	smul.u32 @!p0 $0xF7A, s2;
	p2 =	seq.s32 @!p0 s5, $0x0  }
0x1f: {  	s9 =	smul.u32 $0xF7A, s1;
	s8 =	simm.s32 @!p0 $0x1BF5;
	p2 =	por !p2, p0  }
0x20: {  	[sflag:s8] =	ssyncset.s32 @!p0 $0xFFFFF086;
	s6 =	sadd.s32 @!p0 s3, s7;
	s7 =	simm.s32 @!p0 $0x108  }
0x21: {  	s3 =	sadd.s32 s3, s9;
	s6 =	sadd.s32 @!p0 $0x88, s6;
	s7 =	simm.s32 @p2 $0x1082  }
0x22: {  	[simem:s7], [sflag:s8] =	dma.local @!p0 [hbm:s6], $0xF7A  }
0x23: {  	s9 =	sor.u32 $0xD0000000, s2;
	s6 =	simm.s32 $0x108;
	_ =	swait.ge @!p0 [sflag:s8], $0x0  }
0x24: {  	s3 =	sadd.s32 $0x88, s3;
	s6 =	simm.s32 @!p1 $0x1082;
	[sflag:s4] =	ssyncset.s32 $0xFFFFF086  }
0x25: {  	[simem:s6], [sflag:s4] =	dma.local [hbm:s3], $0xF7A  }
0x26: {  	[smem:$0x3F8E] =	sst s1;
	(tag) =	ssettag s2;
	_ =	strace s9  }
0x27: {  	s1 =	sld [smem:$0x3F9E]  }
0x28: {  	s2 =	sld [smem:$0x3F9F]  }
0x29: {  	s4 =	sld [smem:$0x3FA1]  }
0x2a: {  	p0 =	seq.s32 s5, $0x0;
	s5 =	sld [smem:$0x3FA2]  }
0x2b: {  	s6 =	sld [smem:$0x3FA3]  }
0x2c: {  	s7 =	sld [smem:$0x3FA4]  }
0x2d: {  	s3 =	simm.s32 $0x108;
	s8 =	sld [smem:$0x3FA5]  }
0x2e: {  	s3 =	simm.s32 @!p0 $0x1082;
	s9 =	sld [smem:$0x3FA6]  }
0x2f: {  	lr =	sadd.s32 s0, s3;
	s0 =	sld [smem:$0x3F9D]  }
0x30: {  	s3 =	sld [smem:$0x3FA0]  }
0x31: {  	[smem:$0x3FA9] =	sst s10  }
0x32: {  	s10 =	sld [smem:$0x3FA7];
	_ =	sdelay $0x3  }
0x33: {  	p0 =	seq.s32 s10, $0x1;
	s10 =	sld [smem:$0x3FA9];
	_ =	sdelay $0x3  }
0x34: {  	[smem:$0x3FA9] =	sst s10  }
0x35: {  	s10 =	sld [smem:$0x3FA8];
	_ =	sdelay $0x3  }
0x36: {  	p1 =	seq.s32 s10, $0x1;
	s10 =	sld [smem:$0x3FA9];
	_ =	sdelay $0x3  }
0x37: {  	[smem:$0x3FA9] =	sst s10  }
0x38: {  	s10 =	sld [smem:$0x3FAA]  }
0x39: {  	_ = 	snop;
	(pc) =	sbr.ind lr, $3  }
0x3a: {  	_ = 	snop  }
0x3b: {  	_ = 	snop  }
0x3c: {  	p2 =	seq.s32 s10, $0x1;
	s10 =	sld [smem:$0x3FA9]  }
0x3d: {  	_ =	shalt  }
0x3e: {  	_ =	shalt  }
0x3f: {  	_ =	shalt  }
0x40: {  	_ =	shalt  }
0x41: {  	_ =	shalt  }
0x42: {  	_ =	shalt  }
0x43: {  	_ =	shalt  }
0x44: {  	_ =	shalt  }
0x45: {  	_ =	shalt  }
0x46: {  	_ =	shalt  }
0x47: {  	_ =	shalt  }
0x48: {  	_ =	shalt  }
0x49: {  	_ =	shalt  }
0x4a: {  	_ =	shalt  }
0x4b: {  	_ =	shalt  }
0x4c: {  	_ =	shalt  }
0x4d: {  	_ =	shalt  }
0x4e: {  	_ =	shalt  }
0x4f: {  	_ =	shalt  }
0x50: {  	_ =	shalt  }
0x51: {  	_ =	shalt  }
0x52: {  	_ =	shalt  }
0x53: {  	_ =	shalt  }
0x54: {  	_ =	shalt  }
0x55: {  	_ =	shalt  }
0x56: {  	_ =	shalt  }
0x57: {  	_ =	shalt  }
0x58: {  	_ =	shalt  }
0x59: {  	_ =	shalt  }
0x5a: {  	_ =	shalt  }
0x5b: {  	_ =	shalt  }
0x5c: {  	_ =	shalt  }
0x5d: {  	_ =	shalt  }
0x5e: {  	_ =	shalt  }
0x5f: {  	_ =	shalt  }
0x60: {  	_ =	shalt  }
0x61: {  	_ =	shalt  }
0x62: {  	_ =	shalt  }
0x63: {  	_ =	shalt  }
0x64: {  	_ =	shalt  }
0x65: {  	_ =	shalt  }
0x66: {  	_ =	shalt  }
0x67: {  	_ =	shalt  }
0x68: {  	_ =	shalt  }
0x69: {  	_ =	shalt  }
0x6a: {  	_ =	shalt  }
0x6b: {  	_ =	shalt  }
0x6c: {  	_ =	shalt  }
0x6d: {  	_ =	shalt  }
0x6e: {  	_ =	shalt  }
0x6f: {  	_ =	shalt  }
0x70: {  	_ =	shalt  }
0x71: {  	_ =	shalt  }
0x72: {  	_ =	shalt  }
0x73: {  	_ =	shalt  }
0x74: {  	_ =	shalt  }
0x75: {  	_ =	shalt  }
0x76: {  	_ =	shalt  }
0x77: {  	_ =	shalt  }
0x78: {  	_ =	shalt  }
0x79: {  	_ =	shalt  }
0x7a: {  	_ =	shalt  }
0x7b: {  	_ =	shalt  }
0x7c: {  	_ =	shalt  }
0x7d: {  	_ =	shalt  }
0x7e: {  	_ =	shalt  }
0x7f: {  	_ =	shalt  }
0x80: {  	_ =	shalt  }
0x81: {  	_ =	shalt  }
0x82: {  	_ =	shalt  }
0x83: {  	_ =	shalt  }
0x84: {  	_ =	shalt  }
0x85: {  	_ =	shalt  }
0x86: {  	_ =	shalt  }
0x87: {  	_ =	shalt  }
.Lfunc_end0:
.L_simem_size_0:
called_computation_lowered:
.L_overlay_start_0:
0x88: {  	s2 =	sld [smem:$0x3FD9]  }
0x89: {  	s3 =	sld [smem:$0x3FFE];
	_ =	sdelay $0x1  }
0x8a: {  	s1 =	srdreg.scid  }
0x8b: {  	s0 =	sand.u32 $0x1, s1  }
0x8c: {  	s16 =	sshll.u32 s0, $0xA;
	s2 =	sadd.s32 s3, s2  }
0x8d: {  	s2 =	sadd.s32 s2, s16  }
0x8e: {  	[smem:$0x3FB5] =	sst s2  }
0x8f: {  	_ = 	snop  }
0x90: {  	(tm) =	ssettm $0x1  }
0x91: {  	s17 =	sld [smem:$0x3FFB];
	_ =	sdelay $0x3  }
0x92: {  	_ =	strace s17  }
0x93: {  	s2 =	sld [smem:$0x3FFC];
	_ =	sdelay $0x3  }
0x94: {  	_ =	strace s2  }
0x95: {  	s2 =	sld [smem:$0x3FFD];
	_ =	sdelay $0x3  }
0x96: {  	_ =	strace s2  }
0x97: {  	_ =	strace $0x8FFFFFFF  }
0x98: {  	s18 =	sld [smem:$0x3FDB];
	_ =	sdelay $0x1  }
0x99: {  	s19 =	simm.s32 $_scs_section_size  }
0x9a: {  	s4 =	simm.s32 $_size__tile_overlayer_lowered;
	s5 =	simm.s32 $_tile_overlayer_lowered  }
0x9b: {  	s22 =	simm.s32 $0x1BFF;
	s21 =	sshll.u32 s5, $0x1;
	s2 =	sadd.s32 s19, s18  }
0x9c: {  	s6 =	simm.s32 $0x0;
	s20 =	sshll.u32 s4, $0x1;
	s4 =	sadd.s32 s21, s2  }
0x9d: {  	[timem:s6], [sflag:s22] =	dma.local [hbm:s4], s20  }
0x9e: {  	_ =	swait.ge [sflag:s22], s20  }
0x9f: {  	s3 =	ssub.s32 $0x0, s20;
	[sflag:s22] =	ssyncset.done $0x0  }
0xa0: {  	[sflag:s22] =	ssyncadd.s32 s3;
	_ =	sdelay $0x1  }
0xa1: {  	s23 =	simm.s32 $0x1B8B  }
0xa2: {  	_ =	swait.ge [sflag:s23], $0x1  }
0xa3: {  	[sflag:s23] =	ssyncset.done $0x0  }
0xa4: {  	s25 =	simm.s32 $0x1B8E;
	s24 =	sld [smem:$0x3FFE];
	[sflag:s23] =	ssyncadd.s32 $0xFFFFFFFF  }
0xa5: {  	s26 =	simm.s32 $execute0_lowered;
	[smem:$0x3FD2] =	sst s25  }
0xa6: {  	s4 =	sshll.u32 s26, $0x1;
	_ =	strace $0x80000046;
	[dreg:$0x1] =	wrdreg $0xFFFFFFFF  }
0xa7: {  	s28 =	simm.s32 $_size_execute0_lowered;
	s2 =	sadd.s32 s2, s4;
	[dreg:$0x0] =	wrdreg $0x0  }
0xa8: {  	s4 =	sshll.u32 s28, $0x1;
	[dreg:$0x2] =	wrdreg s2  }
0xa9: {  	[dreg:$0x3] =	wrdreg s4  }
0xaa: {  	[dreg:$0x4] =	wrdreg $0xC0  }
0xab: {  	_ =	task [dreg:s6], $0x5FFFF  }
0xac: {  	[dreg:$0x1] =	wrdreg $0xFFFFFFFF  }
0xad: {  	[dreg:$0x0] =	wrdreg $0x60  }
0xae: {  	[dreg:$0x2] =	wrdreg s24  }
0xaf: {  	[dreg:$0x3] =	wrdreg $0x7DA00  }
0xb0: {  	[dreg:$0x4] =	wrdreg $0x9  }
0xb1: {  	_ =	task.clear_ibuf [dreg:s6], $0x5FFFF;
	_ =	strace $0x90000046  }
0xb2: {  	s29 =	simm.s32 $0x9;
	_ =	strace $0x80000048  }
0xb3: {  	_ =	swait.ge [sflag:s29], $0x1  }
0xb4: {  	[sflag:s29] =	ssyncadd.s32 $0xFFFFFFFF  }
0xb5: {  	_ =	strace $0x90000048  }
0xb6: {  	_ =	sfence  }
0xb7: {  	s30 =	sld [smem:$0x0];
	_ =	sdelay $0x2  }
0xb8: {  	s31 =	sshll.u32 s1, $0xD;
	s1 =	sshrl.u32 s1, $0x2  }
0xb9: {  	s3 =	sand.u32 $0x4000, s31;
	s1 =	sadd.s32 s1, s30  }
0xba: {  	s0 =	sor.u32 s3, s0;
	s1 =	sshll.u32 s1, $0x11  }
0xbb: {  	s0 =	sor.u32 s1, s0  }
0xbc: {  	s0 =	sadd.s32 $0x8F2B, s0  }
0xbd: {  	[sflag:s0] =	ssyncadd.remote.s32 $0x1  }
0xbe: {  	_ =	sfence.sel $0xFFFF  }
0xbf: {  	[dreg:$0x0] =	wrdreg $0xFFFFFFFF;
	(pc) =	sbr.abs _section_cstart, $3  }
0xc0: {  	[dreg:$0x1] =	wrdreg $0xFFFFFFFF  }
0xc1: {  	_ =	task.clear_ibuf [dreg:s6], $0x2FFFF;
	_ =	strace $0x9FFFFFFF  }
0xc2: {  	(tm) =	ssettm $0x7FFFFFFF  }
0xc3: {  	_ =	shalt  }
tec
execute0_lowered:
.L_overlay_start_1:
0x0: {  	(tag) =	ssettag $0x1  }
0x1: {  	s8 =	rddreg [dreg:$0x0]  }
0x2: {  	s2 =	rddreg [dreg:$0x1]  }
0x3: {  	s0 =	rddreg [dreg:$0x2];
	s3 =	simm.s32 $0x0;
	s1 =	stileid.u32  }
0x4: {  	s7 =	srdreg.scid;
	s16 =	simm.s32 $0x2710;
	s17 =	simm.s32 $0x28  }
0x5: {  	s18 =	simm.s32 $0x4E20;
	s19 =	simm.s32 $0x65E0;
	s20 =	simm.s32 $0x1  }
0x6: {  	s21 =	simm.s32 $0x2;
	s22 =	simm.s32 $0x26E8;
	s23 =	simm.s32 $0x4DD0  }
0x7: {  	s24 =	simm.s32 $0x4DF8;
	s25 =	simm.s32 $0x0;
	[smem:$0x7FF] =	sst s3  }
0x8: {  	s6 =	smul.u32 $0x4E2, s1;
	s4 =	sadd.s32 $0x4E00, s8;
	s5 =	sadd.s32 $0x53000, s8  }
0x9: {  	s14 =	sand.u32 $0x1, s7;
	s12 =	smul.u32 $0x17C00, s1;
	s7 =	sadd.s32 $0xB1000, s8  }
0xa: {  	s31 =	sshll.u32 s1, $0x6;
	_ =	strace $0x80000047;
	s9 =	ssub.s32 $0x2, s14  }
.Ltmp0:
0xb: {  	p0 =	sne.s32 s14, $0x0;
	s11 =	sadd.s32 s6, s8;
	(pc) =	sbr.rel .LBB2_1-.Ltmp0, $4  }
0xc: {  	s6 =	sadd.s32 $0x3D600, s8;
	s8 =	sadd.s32 $0x81800, s8;
	s10 =	sshrl.u32 s9, $0x1  }
0xd: {  	s15 =	sadd.s32 s12, s2;
	s12 =	sshrl.u32 s12, $0x3;
	s13 =	ssub.s32 s9, s10  }
0xe: {  	s9 =	sor.u32 $0x1C03, s31;
	s10 =	sadd.s32 $0x38600, s11;
	s11 =	sadd.s32 $0x33600, s11  }
0xf: {  	s14 =	sshrl.u32 s15, $0x3;
	s15 =	simm.s32 $0x3;
	s13 =	smax.u32 s13, $0x1  }
.LBB2_7:
0x10: {  	s28 =	sadd.s32 $0x28, s26;
	[sflag:s15] =	ssyncadd.s32 $0xFFFFE840  }
0x11: {  	[tilespmem:s19], [sflag:$0x2] =	stream.indirect.gather [hbm4b:s5+s17], $0x98, s28, s17, $0xb8;
	[tilespmem:$0x1F9A0] =	vst v63  }
0x12: {  	_ =	swait.ge [sflag:s20], $0x17C0  }
0x13: {  	[sflag:s20] =	ssyncset.done $0x0  }
0x14: {  	s29 =	sadd.s32 $0x2710, s26;
	[sflag:s20] =	ssyncadd.s32 $0xFFFFE840  }
0x15: {  	[spmem:s2] =	stream.indirect.scatter.add.f32 [tilespmem:s18], [sflag:$0x3], $0x98, s29, s17, $0xb8;
	[tilespmem:$0x1F9A0] =	vst v63  }
0x16: {  	_ =	swait.ge [sflag:s15], $0x17C0  }
0x17: {  	[sflag:s15] =	ssyncset.done $0x0  }
0x18: {  	s30 =	sadd.s32 $0x50, s26;
	[sflag:s15] =	ssyncadd.s32 $0xFFFFE840  }
0x19: {  	[tilespmem:s18], [sflag:$0x1] =	stream.indirect.gather [hbm4b:s5+s17], $0x98, s30, s17, $0xb8;
	[tilespmem:$0x1F9A0] =	vst v63  }
0x1a: {  	_ =	swait.ge [sflag:s21], $0x17C0  }
0x1b: {  	[sflag:s21] =	ssyncset.done $0x0  }
0x1c: {  	s31 =	sadd.s32 $0x2738, s26;
	[sflag:s21] =	ssyncadd.s32 $0xFFFFE840  }
0x1d: {  	[spmem:s2] =	stream.indirect.scatter.add.f32 [tilespmem:s19], [sflag:$0x3], $0x98, s31, s17, $0xb8;
	[tilespmem:$0x1F9A0] =	vst v63  }
0x1e: {  	_ =	swait.ge [sflag:s15], $0x17C0  }
0x1f: {  	[sflag:s15] =	ssyncset.done $0x0  }
0x20: {  	s26 =	smov.u32 s8;
	[sflag:s15] =	ssyncadd.s32 $0xFFFFE840  }
0x21: {  	[tilespmem:s19], [sflag:$0x2] =	stream.indirect.gather [hbm4b:s5+s17], $0x98, s22, s17, $0xb8;
	[tilespmem:$0x1F9A0] =	vst v63  }
.LBB2_8:
0x22: {  	_ =	swait.ge [sflag:s20], $0x17C0  }
0x23: {  	[sflag:s20] =	ssyncset.done $0x0  }
0x24: {  	[sflag:s20] =	ssyncadd.s32 $0xFFFFE840  }
0x25: {  	[spmem:s2] =	stream.indirect.scatter.add.f32 [tilespmem:s18], [sflag:$0x3], $0x98, s23, s17, $0xb8;
	[tilespmem:$0x1F9A0] =	vst v63  }
0x26: {  	_ =	swait.ge [sflag:s15], $0x17C0  }
0x27: {  	[sflag:s15] =	ssyncset.done $0x0  }
0x28: {  	[sflag:s15] =	ssyncadd.s32 $0xFFFFE840  }
0x29: {  	_ =	swait.ge [sflag:s21], $0x17C0  }
0x2a: {  	[sflag:s21] =	ssyncset.done $0x0  }
0x2b: {  	[sflag:s21] =	ssyncadd.s32 $0xFFFFE840  }
0x2c: {  	[spmem:s2] =	stream.indirect.scatter.add.f32 [tilespmem:s19], [sflag:$0x3], $0x98, s24, s17, $0xb8;
	[tilespmem:$0x1F9A0] =	vst v63  }
0x2d: {  	_ =	swait.ge [sflag:s15], $0x17C0  }
0x2e: {  	s25 =	sadd.s32 $0x1, s25;
	[sflag:s15] =	ssyncset.done $0x0  }
0x2f: {  	p1 =	sne.s32 s25, s13;
	[sflag:s15] =	ssyncadd.s32 $0xFFFFE840  }
.Ltmp1:
0x30: {  	s26 =	sadd.s32 s26, s12;
	[bflag:$0x0] =	sbarrier.arrive $0xFFFF;
	(pc) =	sbr.rel @!p1 .LBB2_9-.Ltmp1, $4  }
0x31: {  	[hbm:s26], [sflag:s9] =	dma.local [spmem:s14], $0x2F80  }
0x32: {  	_ =	swait.ge [sflag:s15], $0x2F80  }
0x33: {  	[sflag:s15] =	ssyncset.done $0x0  }
0x34: {  	[sflag:s15] =	ssyncadd.s32 $0xFFFFD080  }
.LBB2_1:
0x35: {  	[spmem:s14], [sflag:s9] =	dma.local [hbm:s6], $0x2F80  }
0x36: {  	_ =	swait.ge [sflag:s15], $0x2F80  }
0x37: {  	[sflag:s15] =	ssyncset.done $0x0  }
0x38: {  	[sflag:s15] =	ssyncadd.s32 $0xFFFFD080  }
0x39: {  	[tilespmem:s3], [sflag:$0x3] =	stream.linear.gather [hbm4b:s10+s3], $0x2710, $0x38;
	[tilespmem:$0x1F9A0] =	vst v63  }
0x3a: {  	_ =	swait.ge [sflag:s15], $0x2710  }
0x3b: {  	[sflag:s15] =	ssyncset.done $0x0  }
0x3c: {  	[sflag:s15] =	ssyncadd.s32 $0xFFFFD8F0  }
0x3d: {  	[tilespmem:s16], [sflag:$0x3] =	stream.linear.gather [hbm4b:s11+s3], $0x2710, $0x38;
	[tilespmem:$0x1F9A0] =	vst v63  }
.Ltmp2:
0x3e: {  	_ =	swait.ge [sflag:s15], $0x2710;
	(pc) =	sbr.rel @p0 .LBB2_5-.Ltmp2, $4  }
0x3f: {  	[sflag:s15] =	ssyncset.done $0x0  }
0x40: {  	[sflag:s15] =	ssyncadd.s32 $0xFFFFD8F0  }
0x41: {  	[bflag:$0x0] =	sbarrier.arrive $0xFFFF  }
0x42: {  	s26 =	simm.s32 $0x0  }
0x43: {  	[tilespmem:s18], [sflag:$0x1] =	stream.indirect.gather [hbm4b:s4+s17], $0x98, s26, s17, $0xb8;
	[tilespmem:$0x1F9A0] =	vst v63  }
0x44: {  	s31 =	simm.s32 $0x28  }
0x45: {  	[tilespmem:s19], [sflag:$0x2] =	stream.indirect.gather [hbm4b:s4+s17], $0x98, s31, s17, $0xb8;
	[tilespmem:$0x1F9A0] =	vst v63  }
0x46: {  	_ =	swait.ge [sflag:s20], $0x17C0  }
0x47: {  	[sflag:s20] =	ssyncset.done $0x0  }
0x48: {  	s29 =	simm.s32 $0x2710;
	[sflag:s20] =	ssyncadd.s32 $0xFFFFE840  }
0x49: {  	[spmem:s2] =	stream.indirect.scatter.add.f32 [tilespmem:s18], [sflag:$0x3], $0x98, s29, s17, $0xb8;
	[tilespmem:$0x1F9A0] =	vst v63  }
0x4a: {  	_ =	swait.ge [sflag:s15], $0x17C0  }
0x4b: {  	[sflag:s15] =	ssyncset.done $0x0  }
0x4c: {  	s30 =	simm.s32 $0x50;
	[sflag:s15] =	ssyncadd.s32 $0xFFFFE840  }
0x4d: {  	[tilespmem:s18], [sflag:$0x1] =	stream.indirect.gather [hbm4b:s4+s17], $0x98, s30, s17, $0xb8;
	[tilespmem:$0x1F9A0] =	vst v63  }
0x4e: {  	_ =	swait.ge [sflag:s21], $0x17C0  }
0x4f: {  	[sflag:s21] =	ssyncset.done $0x0  }
0x50: {  	s31 =	simm.s32 $0x2738;
	[sflag:s21] =	ssyncadd.s32 $0xFFFFE840  }
0x51: {  	[spmem:s2] =	stream.indirect.scatter.add.f32 [tilespmem:s19], [sflag:$0x3], $0x98, s31, s17, $0xb8;
	[tilespmem:$0x1F9A0] =	vst v63  }
0x52: {  	_ =	swait.ge [sflag:s15], $0x17C0  }
0x53: {  	s28 =	simm.s32 $0x280;
	s26 =	simm.s32 $0x50;
	[sflag:s15] =	ssyncset.done $0x0  }
.LBB2_3:
0x54: {  	s29 =	sadd.s32 $0x28, s26  }
0x55: {  	[sflag:s15] =	ssyncadd.s32 $0xFFFFE840;
	s30 =	smov.u32 s28;
	s31 =	sadd.s32 $0x140, s28  }
0x56: {  	[tilespmem:s19], [sflag:$0x2] =	stream.indirect.gather [hbm4b:s4+s17], $0x98, s29, s17, $0xb8;
	[tilespmem:$0x1F9A0] =	vst v63  }
0x57: {  	p1 =	sne.s32 s28, $0x99C0;
	_ =	swait.ge [sflag:s20], $0x17C0  }
0x58: {  	[sflag:s20] =	ssyncset.done $0x0  }
0x59: {  	s28 =	sadd.s32 $0x2710, s26;
	[sflag:s20] =	ssyncadd.s32 $0xFFFFE840  }
0x5a: {  	[spmem:s2] =	stream.indirect.scatter.add.f32 [tilespmem:s18], [sflag:$0x3], $0x98, s28, s17, $0xb8;
	[tilespmem:$0x1F9A0] =	vst v63  }
0x5b: {  	_ =	swait.ge [sflag:s15], $0x17C0  }
0x5c: {  	[sflag:s15] =	ssyncset.done $0x0  }
0x5d: {  	s28 =	sadd.s32 $0x50, s26;
	[sflag:s15] =	ssyncadd.s32 $0xFFFFE840  }
0x5e: {  	[tilespmem:s18], [sflag:$0x1] =	stream.indirect.gather [hbm4b:s4+s17], $0x98, s28, s17, $0xb8;
	[tilespmem:$0x1F9A0] =	vst v63  }
0x5f: {  	_ =	swait.ge [sflag:s21], $0x17C0  }
.Ltmp3:
0x60: {  	[sflag:s21] =	ssyncset.done $0x0;
	(pc) =	sbr.rel @p1 .LBB2_3-.Ltmp3, $4  }
0x61: {  	s26 =	sadd.s32 $0x2738, s26;
	[sflag:s21] =	ssyncadd.s32 $0xFFFFE840  }
0x62: {  	[spmem:s2] =	stream.indirect.scatter.add.f32 [tilespmem:s19], [sflag:$0x3], $0x98, s26, s17, $0xb8;
	[tilespmem:$0x1F9A0] =	vst v63  }
0x63: {  	_ =	swait.ge [sflag:s15], $0x17C0  }
0x64: {  	s28 =	smov.u32 s31;
	s26 =	sshra.s32 s30, $0x2;
	[sflag:s15] =	ssyncset.done $0x0  }
0x65: {  	s28 =	sadd.s32 $0x28, s26;
	[sflag:s15] =	ssyncadd.s32 $0xFFFFE840  }
0x66: {  	[tilespmem:s19], [sflag:$0x2] =	stream.indirect.gather [hbm4b:s4+s17], $0x98, s28, s17, $0xb8;
	[tilespmem:$0x1F9A0] =	vst v63  }
0x67: {  	_ =	swait.ge [sflag:s20], $0x17C0  }
0x68: {  	[sflag:s20] =	ssyncset.done $0x0  }
0x69: {  	s29 =	sadd.s32 $0x2710, s26;
	[sflag:s20] =	ssyncadd.s32 $0xFFFFE840  }
0x6a: {  	[spmem:s2] =	stream.indirect.scatter.add.f32 [tilespmem:s18], [sflag:$0x3], $0x98, s29, s17, $0xb8;
	[tilespmem:$0x1F9A0] =	vst v63  }
0x6b: {  	_ =	swait.ge [sflag:s15], $0x17C0  }
0x6c: {  	[sflag:s15] =	ssyncset.done $0x0  }
0x6d: {  	s30 =	sadd.s32 $0x50, s26;
	[sflag:s15] =	ssyncadd.s32 $0xFFFFE840  }
0x6e: {  	[tilespmem:s18], [sflag:$0x1] =	stream.indirect.gather [hbm4b:s4+s17], $0x98, s30, s17, $0xb8;
	[tilespmem:$0x1F9A0] =	vst v63  }
0x6f: {  	_ =	swait.ge [sflag:s21], $0x17C0  }
0x70: {  	[sflag:s21] =	ssyncset.done $0x0  }
0x71: {  	s31 =	sadd.s32 $0x2738, s26;
	[sflag:s21] =	ssyncadd.s32 $0xFFFFE840  }
0x72: {  	[spmem:s2] =	stream.indirect.scatter.add.f32 [tilespmem:s19], [sflag:$0x3], $0x98, s31, s17, $0xb8;
	[tilespmem:$0x1F9A0] =	vst v63  }
.Ltmp4:
0x73: {  	_ = 	snop;
	(pc) =	sbr.rel .LBB2_8-.Ltmp4, $4  }
0x74: {  	_ =	swait.ge [sflag:s15], $0x17C0  }
0x75: {  	[sflag:s15] =	ssyncset.done $0x0  }
0x76: {  	s26 =	smov.u32 s7;
	[sflag:s15] =	ssyncadd.s32 $0xFFFFE840  }
0x77: {  	[tilespmem:s19], [sflag:$0x2] =	stream.indirect.gather [hbm4b:s4+s17], $0x98, s22, s17, $0xb8;
	[tilespmem:$0x1F9A0] =	vst v63  }
.LBB2_5:
0x78: {  	[tilespmem:s18], [sflag:$0x1] =	stream.indirect.gather [hbm4b:s5+s17], $0x98, s26, s17, $0xb8;
	[tilespmem:$0x1F9A0] =	vst v63  }
0x79: {  	s31 =	simm.s32 $0x28  }
0x7a: {  	[tilespmem:s19], [sflag:$0x2] =	stream.indirect.gather [hbm4b:s5+s17], $0x98, s31, s17, $0xb8;
	[tilespmem:$0x1F9A0] =	vst v63  }
0x7b: {  	_ =	swait.ge [sflag:s20], $0x17C0  }
0x7c: {  	[sflag:s20] =	ssyncset.done $0x0  }
0x7d: {  	s29 =	simm.s32 $0x2710;
	[sflag:s20] =	ssyncadd.s32 $0xFFFFE840  }
0x7e: {  	[spmem:s2] =	stream.indirect.scatter.add.f32 [tilespmem:s18], [sflag:$0x3], $0x98, s29, s17, $0xb8;
	[tilespmem:$0x1F9A0] =	vst v63  }
0x7f: {  	_ =	swait.ge [sflag:s15], $0x17C0  }
0x80: {  	[sflag:s15] =	ssyncset.done $0x0  }
0x81: {  	s30 =	simm.s32 $0x50;
	[sflag:s15] =	ssyncadd.s32 $0xFFFFE840  }
0x82: {  	[tilespmem:s18], [sflag:$0x1] =	stream.indirect.gather [hbm4b:s5+s17], $0x98, s30, s17, $0xb8;
	[tilespmem:$0x1F9A0] =	vst v63  }
0x83: {  	_ =	swait.ge [sflag:s21], $0x17C0  }
0x84: {  	[sflag:s21] =	ssyncset.done $0x0  }
0x85: {  	s31 =	simm.s32 $0x2738;
	[sflag:s21] =	ssyncadd.s32 $0xFFFFE840  }
0x86: {  	[spmem:s2] =	stream.indirect.scatter.add.f32 [tilespmem:s19], [sflag:$0x3], $0x98, s31, s17, $0xb8;
	[tilespmem:$0x1F9A0] =	vst v63  }
0x87: {  	_ =	swait.ge [sflag:s15], $0x17C0  }
0x88: {  	s28 =	simm.s32 $0x280;
	s26 =	simm.s32 $0x50;
	[sflag:s15] =	ssyncset.done $0x0  }
.LBB2_6:
0x89: {  	s29 =	sadd.s32 $0x28, s26  }
0x8a: {  	[sflag:s15] =	ssyncadd.s32 $0xFFFFE840;
	s30 =	smov.u32 s28;
	s31 =	sadd.s32 $0x140, s28  }
0x8b: {  	[tilespmem:s19], [sflag:$0x2] =	stream.indirect.gather [hbm4b:s5+s17], $0x98, s29, s17, $0xb8;
	[tilespmem:$0x1F9A0] =	vst v63  }
0x8c: {  	p1 =	sne.s32 s28, $0x99C0;
	_ =	swait.ge [sflag:s20], $0x17C0  }
0x8d: {  	[sflag:s20] =	ssyncset.done $0x0  }
0x8e: {  	s28 =	sadd.s32 $0x2710, s26;
	[sflag:s20] =	ssyncadd.s32 $0xFFFFE840  }
0x8f: {  	[spmem:s2] =	stream.indirect.scatter.add.f32 [tilespmem:s18], [sflag:$0x3], $0x98, s28, s17, $0xb8;
	[tilespmem:$0x1F9A0] =	vst v63  }
0x90: {  	_ =	swait.ge [sflag:s15], $0x17C0  }
0x91: {  	[sflag:s15] =	ssyncset.done $0x0  }
0x92: {  	s28 =	sadd.s32 $0x50, s26;
	[sflag:s15] =	ssyncadd.s32 $0xFFFFE840  }
0x93: {  	[tilespmem:s18], [sflag:$0x1] =	stream.indirect.gather [hbm4b:s5+s17], $0x98, s28, s17, $0xb8;
	[tilespmem:$0x1F9A0] =	vst v63  }
0x94: {  	_ =	swait.ge [sflag:s21], $0x17C0  }
.Ltmp5:
0x95: {  	[sflag:s21] =	ssyncset.done $0x0;
	(pc) =	sbr.rel @p1 .LBB2_6-.Ltmp5, $4  }
0x96: {  	s26 =	sadd.s32 $0x2738, s26;
	[sflag:s21] =	ssyncadd.s32 $0xFFFFE840  }
0x97: {  	[spmem:s2] =	stream.indirect.scatter.add.f32 [tilespmem:s19], [sflag:$0x3], $0x98, s26, s17, $0xb8;
	[tilespmem:$0x1F9A0] =	vst v63  }
0x98: {  	_ =	swait.ge [sflag:s15], $0x17C0  }
0x99: {  	s28 =	smov.u32 s31;
	s26 =	sshra.s32 s30, $0x2;
	[sflag:s15] =	ssyncset.done $0x0  }
.Ltmp6:
0x9a: {  	_ = 	snop;
	(pc) =	sbr.rel .LBB2_7-.Ltmp6, $1  }
0x9b: {  	_ =	sdelay $0x3  }
.LBB2_9:
0x9c: {  	_ =	sfence.sel $0x180000  }
0x9d: {  	[bflag:$0x0] =	sbarrier.arrive $0xFFFF  }
0x9e: {  	p0 =	sne.s32 s1, $0x0;
	_ =	strace $0x90000047  }
0x9f: {  	s0 =	sadd.s32 @!p0 $0x100000, s0;
	[bflag:$0x2] =	sbarrier.arrive $0xFFFF  }
0xa0: {  	[sflag:s0] =	ssyncadd.tile.s32 @!p0 $0x1;
	_ =	shalt  }
.Lfunc_end2:
_tile_overlayer_lowered:
.L_overlay_start_2:
0xa1: {  	(tag) =	ssettag $0x2  }
0xa2: {  	s0 =	rddreg [dreg:$0x0];
	s2 =	stileid.u32  }
0xa3: {  	s1 =	rddreg [dreg:$0x1];
	p0 =	sne.s32 s2, $0x0  }
0xa4: {  	s3 =	rddreg [dreg:$0x2];
	[bflag:$0x3] =	sbarrier.arrive $0xFFFF;
	s2 =	simm.s32 @!p0 $0x1C03  }
0xa5: {  	[timem:s3], [sflag:s2] =	dma.local @!p0 [hbm:s0], s1  }
0xa6: {  	s0 =	simm.s32 @!p0 $0x3  }
0xa7: {  	_ =	swait.ge @!p0 [sflag:s0], s1  }
0xa8: {  	s1 =	ssub.s32 @!p0 $0x0, s1;
	[sflag:s0] =	ssyncset.done @!p0 $0x0  }
0xa9: {  	[sflag:s0] =	ssyncadd.s32 @!p0 s1  }
0xaa: {  	[bflag:$0x3] =	sbarrier.arrive $0xFFFF  }
0xab: {  	_ =	shalt  }

</sc_bundles>
